<compile_context>
chip_gen: v7x
topology: tpu7x:2x2x1
jax: 0.10.2.dev20260603
libtpu: 0.0.44.dev20260713+nightly
codegen_flags: <defaults>
</compile_context>

<pallas_src>
import functools

import jax
import jax.numpy as jnp
from jax import lax
from jax.experimental import pallas as pl
from jax.experimental.pallas import tpu as pltpu
from jax.experimental.pallas import tpu_sc as plsc

CUTOFF = 10.0
CUTOFF_SHORT_RANGE = 2.0
KEHALF = 7.199822675975274

_N_NODES = 100000
_N_EDGES = 6400000

_NC = 2
_NS = 16
_NW = _NC * _NS
_EPW = _N_EDGES // _NW
_CHUNK = 3840
_NCHUNK = _EPW // _CHUNK
_TAIL = _EPW - _NCHUNK * _CHUNK
_LANES = 16


def _rsqrt(x):
    i = lax.bitcast_convert_type(x, jnp.int32)
    i = 0x5F3759DF - lax.shift_right_arithmetic(i, 1)
    y = lax.bitcast_convert_type(i, jnp.float32)
    y = y * (1.5 - (0.5 * x) * y * y)
    return y


def _edge_energy(d, qu, qv):
    y = jnp.minimum(d, CUTOFF_SHORT_RANGE)
    y2 = y * y
    p = (y2 * y) * ((0.1875 * y - 0.9375) * y + 1.25)
    rd = _rsqrt(d * d + 1.0)
    rcp_d = 1.0 / d
    chi = rd + p * (rcp_d - rd)
    m = (chi - (2.0 / CUTOFF)) + d * (1.0 / (CUTOFF * CUTOFF))
    e = qu * qv * m
    return jnp.where(d <= CUTOFF, e, 0.0)


def _sc_body(d_hbm, q_hbm, iu_hbm, iv_hbm, out_hbm,
             table, d_v, iu_v, iv_v, o_v, tab_sem, in_sem, out_sem):
    wid = lax.axis_index("s") * _NC + lax.axis_index("c")
    base = wid * _EPW

    def buf(r, b):
        return r.at[pl.ds(b * _CHUNK, _CHUNK)]

    def start_in(c, b):
        off = base + c * _CHUNK
        pltpu.async_copy(d_hbm.at[pl.ds(off, _CHUNK)], buf(d_v, b), in_sem.at[b])
        pltpu.async_copy(iu_hbm.at[pl.ds(off, _CHUNK)], buf(iu_v, b), in_sem.at[b])
        pltpu.async_copy(iv_hbm.at[pl.ds(off, _CHUNK)], buf(iv_v, b), in_sem.at[b])

    def wait_in(c, b):
        off = base + c * _CHUNK
        pltpu.make_async_copy(d_hbm.at[pl.ds(off, _CHUNK)], buf(d_v, b),
                              in_sem.at[b]).wait()
        pltpu.make_async_copy(iu_hbm.at[pl.ds(off, _CHUNK)], buf(iu_v, b),
                              in_sem.at[b]).wait()
        pltpu.make_async_copy(iv_hbm.at[pl.ds(off, _CHUNK)], buf(iv_v, b),
                              in_sem.at[b]).wait()

    def out_slice(c):
        return out_hbm.at[pl.ds(base + c * _CHUNK, _CHUNK)]

    tab_copy = pltpu.async_copy(q_hbm, table, tab_sem)
    start_in(0, 0)
    start_in(1, 1)
    tab_copy.wait()

    def chunk_body(c, carry):
        b = c % 2

        @pl.when(c >= 2)
        def _():
            pltpu.make_async_copy(buf(o_v, b), out_slice(c - 2),
                                  out_sem.at[b]).wait()

        wait_in(c, b)

        bo = b * _CHUNK

        @plsc.parallel_loop(0, _CHUNK, step=_LANES, unroll=8)
        def vec_body(i):
            s = pl.ds(bo + i, _LANES)
            d = d_v[s]
            qu = plsc.load_gather(table, [iu_v[s]])
            qv = plsc.load_gather(table, [iv_v[s]])
            o_v[s] = _edge_energy(d, qu, qv)

        pltpu.async_copy(buf(o_v, b), out_slice(c), out_sem.at[b])

        @pl.when(c + 2 < _NCHUNK)
        def _():
            start_in(c + 2, b)

        return carry

    lax.fori_loop(0, _NCHUNK, chunk_body, 0)
    pltpu.make_async_copy(buf(o_v, 0), out_slice(_NCHUNK - 2),
                          out_sem.at[0]).wait()
    pltpu.make_async_copy(buf(o_v, 1), out_slice(_NCHUNK - 1),
                          out_sem.at[1]).wait()

    toff = base + _NCHUNK * _CHUNK
    pltpu.sync_copy(d_hbm.at[pl.ds(toff, _TAIL)], d_v.at[pl.ds(0, _TAIL)])
    pltpu.sync_copy(iu_hbm.at[pl.ds(toff, _TAIL)], iu_v.at[pl.ds(0, _TAIL)])
    pltpu.sync_copy(iv_hbm.at[pl.ds(toff, _TAIL)], iv_v.at[pl.ds(0, _TAIL)])

    @plsc.parallel_loop(0, _TAIL, step=_LANES, unroll=4)
    def tail_body(i):
        s = pl.ds(i, _LANES)
        o_v[s] = _edge_energy(d_v[s], plsc.load_gather(table, [iu_v[s]]),
                              plsc.load_gather(table, [iv_v[s]]))

    pltpu.sync_copy(o_v.at[pl.ds(0, _TAIL)], out_hbm.at[pl.ds(toff, _TAIL)])


@jax.jit
def kernel(distances_uv, atomic_charges, idx_u, idx_v):
    mesh = plsc.VectorSubcoreMesh(core_axis_name="c", subcore_axis_name="s")
    fn = pl.kernel(
        _sc_body,
        out_type=jax.ShapeDtypeStruct((_N_EDGES,), jnp.float32),
        mesh=mesh,
        scratch_types=[
            pltpu.VMEM((_N_NODES,), jnp.float32),
            pltpu.VMEM((2 * _CHUNK,), jnp.float32),
            pltpu.VMEM((2 * _CHUNK,), jnp.int32),
            pltpu.VMEM((2 * _CHUNK,), jnp.int32),
            pltpu.VMEM((2 * _CHUNK,), jnp.float32),
            pltpu.SemaphoreType.DMA,
            pltpu.SemaphoreType.DMA((2,)),
            pltpu.SemaphoreType.DMA((2,)),
        ],
        compiler_params=pltpu.CompilerParams(needs_layout_passes=False),
    )
    scaled_charges = atomic_charges * (KEHALF ** 0.5)
    return fn(distances_uv, scaled_charges, idx_u.astype(jnp.int32),
              idx_v.astype(jnp.int32))

# --- scband reference (transcript-rebuilt; emitter-appended) ---
"""Pipeline reference for scband-damped-electrostatics-shifted-force-55078660604625 (READ-ONLY COPY).

The authoritative reference and input builder live on the scoring server;
editing this copy changes nothing except your own understanding.
"""

import jax, jax.numpy as jnp
import numpy as np

CUTOFF = 10.0
CUTOFF_SHORT_RANGE = 2.0
KEHALF = 7.199822675975274

N_NODES = 100000
N_EDGES = 6400000


def poly_switch(d):
    # Smooth polynomial switch: 1 at d=0, 0 at d>=cutoff_short_range
    x = jnp.clip(d / CUTOFF_SHORT_RANGE, 0.0, 1.0)
    return 1.0 - x * x * x * (x * (x * 6.0 - 15.0) + 10.0)


def setup_inputs(seed: int = 0) -> dict:
    key = jax.random.key(seed)
    k1, k2, k3, k4 = jax.random.split(key, 4)
    distances_uv = jax.random.uniform(k1, (N_EDGES,), dtype=jnp.float32, minval=0.5, maxval=12.0)
    atomic_charges = jax.random.normal(k2, (N_NODES,), dtype=jnp.float32)
    idx_u = jax.random.randint(k3, (N_EDGES,), 0, N_NODES, dtype=jnp.int64 if jax.config.read('jax_enable_x64') else jnp.int32)
    idx_v = jax.random.randint(k4, (N_EDGES,), 0, N_NODES, dtype=jnp.int64 if jax.config.read('jax_enable_x64') else jnp.int32)
    return {
        'distances_uv': distances_uv,
        'atomic_charges': atomic_charges,
        'idx_u': idx_u,
        'idx_v': idx_v,
    }


def reference(distances_uv, atomic_charges, idx_u, idx_v):
    distances = distances_uv
    distances_damped = jnp.sqrt(distances ** 2 + 1.0)
    switch_damped = poly_switch(distances)
    switch_ordinary = 1.0 - switch_damped
    chi = switch_damped / distances_damped + switch_ordinary / distances
    cutoff2 = CUTOFF ** 2
    chi_shift = 2.0 / CUTOFF - distances / cutoff2
    atomic_charges_u = jnp.take(atomic_charges, idx_u, axis=0)
    atomic_charges_v = jnp.take(atomic_charges, idx_v, axis=0)
    Eelec = atomic_charges_u * atomic_charges_v * (chi - chi_shift)
    Eelec = KEHALF * Eelec
    Eelec = jnp.where(distances <= CUTOFF, Eelec, jnp.zeros_like(Eelec))
    return Eelec

if __name__ == "__main__":
    import jax
    _d = setup_inputs()
    print(jax.jit(kernel)(*tuple(_d.values())))

</pallas_src>

<mosaic_0001>
#map = affine_map<(d0, d1) -> (0)>
module attributes {stable_mosaic.version = 14 : i64} {
  func.func @_sc_body(%arg0: i32, %arg1: i32, %arg2: memref<6400000xf32, #tpu.memory_space<hbm>>, %arg3: memref<100000xf32, #tpu.memory_space<hbm>>, %arg4: memref<6400000xi32, #tpu.memory_space<hbm>>, %arg5: memref<6400000xi32, #tpu.memory_space<hbm>>, %arg6: memref<6400000xf32, #tpu.memory_space<hbm>>, %arg7: memref<100000xf32, #tpu.memory_space<vmem>>, %arg8: memref<7680xf32, #tpu.memory_space<vmem>>, %arg9: memref<7680xi32, #tpu.memory_space<vmem>>, %arg10: memref<7680xi32, #tpu.memory_space<vmem>>, %arg11: memref<7680xf32, #tpu.memory_space<vmem>>, %arg12: memref<!tpu.dma_semaphore, #tpu.memory_space<semaphore_mem>>, %arg13: memref<2x!tpu.dma_semaphore, #tpu.memory_space<semaphore_mem>>, %arg14: memref<2x!tpu.dma_semaphore, #tpu.memory_space<semaphore_mem>>) attributes {dimension_semantics = [#tpu.dimension_semantics<core_parallel>, #tpu.dimension_semantics<subcore_parallel>], iteration_bounds = array<i64: 2, 16>, scalar_prefetch = 0 : i64, scratch_operands = 8 : i64, tpu.core_type = #tpu.core_type<sc_vector_subcore>, window_params = [{transform_indices = #map}, {transform_indices = #map}, {transform_indices = #map}, {transform_indices = #map}, {transform_indices = #map}]} {
    %mul3A = arith.constant 2 : i32
    %mul3A_0 = arith.muli %arg1, %mul3A : i32
    %add3A = arith.addi %mul3A_0, %arg0 : i32
    %mul3A_1 = arith.constant 200000 : i32
    %mul3A_2 = arith.muli %add3A, %mul3A_1 : i32
    tpu.enqueue_dma source(%arg3 : memref<100000xf32, #tpu.memory_space<hbm>>) target(%arg7 : memref<100000xf32, #tpu.memory_space<vmem>>) target_semaphore(%arg12 : memref<!tpu.dma_semaphore, #tpu.memory_space<semaphore_mem>>)
    %add3A_3 = arith.constant 0 : i32
    %add3A_4 = arith.addi %mul3A_2, %add3A_3 : i32
    %dma_start3A = arith.constant 0 : i32
    %dma_start3A_5 = arith.constant 0 : i32
    %dma_start3A_6 = tpu.memref_slice %arg8[%dma_start3A_5] : memref<7680xf32, #tpu.memory_space<vmem>> -> memref<3840xf32, #tpu.memory_space<vmem>>
    %dma_start3A_7 = tpu.memref_slice %arg2[%add3A_4] : memref<6400000xf32, #tpu.memory_space<hbm>> -> memref<3840xf32, #tpu.memory_space<hbm>>
    %dma_start3A_8 = tpu.memref_slice %arg13[%dma_start3A] : memref<2x!tpu.dma_semaphore, #tpu.memory_space<semaphore_mem>> -> memref<1x!tpu.dma_semaphore, #tpu.memory_space<semaphore_mem>>
    %dma_start3A_9 = tpu.memref_squeeze %dma_start3A_8 : memref<1x!tpu.dma_semaphore, #tpu.memory_space<semaphore_mem>> -> memref<!tpu.dma_semaphore, #tpu.memory_space<semaphore_mem>>
    %dma_start3A_10 = arith.constant 0 : i32
    %dma_start3A_11 = tpu.memref_slice %arg8[%dma_start3A_10] : memref<7680xf32, #tpu.memory_space<vmem>> -> memref<3840xf32, #tpu.memory_space<vmem>>
    %dma_start3A_12 = tpu.memref_slice %arg2[%add3A_4] : memref<6400000xf32, #tpu.memory_space<hbm>> -> memref<3840xf32, #tpu.memory_space<hbm>>
    tpu.enqueue_dma source(%dma_start3A_12 : memref<3840xf32, #tpu.memory_space<hbm>>) target(%dma_start3A_11 : memref<3840xf32, #tpu.memory_space<vmem>>) target_semaphore(%dma_start3A_9 : memref<!tpu.dma_semaphore, #tpu.memory_space<semaphore_mem>>)
    %dma_start3A_13 = arith.constant 0 : i32
    %dma_start3A_14 = arith.constant 0 : i32
    %dma_start3A_15 = tpu.memref_slice %arg9[%dma_start3A_14] : memref<7680xi32, #tpu.memory_space<vmem>> -> memref<3840xi32, #tpu.memory_space<vmem>>
    %dma_start3A_16 = tpu.memref_slice %arg4[%add3A_4] : memref<6400000xi32, #tpu.memory_space<hbm>> -> memref<3840xi32, #tpu.memory_space<hbm>>
    %dma_start3A_17 = tpu.memref_slice %arg13[%dma_start3A_13] : memref<2x!tpu.dma_semaphore, #tpu.memory_space<semaphore_mem>> -> memref<1x!tpu.dma_semaphore, #tpu.memory_space<semaphore_mem>>
    %dma_start3A_18 = tpu.memref_squeeze %dma_start3A_17 : memref<1x!tpu.dma_semaphore, #tpu.memory_space<semaphore_mem>> -> memref<!tpu.dma_semaphore, #tpu.memory_space<semaphore_mem>>
    %dma_start3A_19 = arith.constant 0 : i32
    %dma_start3A_20 = tpu.memref_slice %arg9[%dma_start3A_19] : memref<7680xi32, #tpu.memory_space<vmem>> -> memref<3840xi32, #tpu.memory_space<vmem>>
    %dma_start3A_21 = tpu.memref_slice %arg4[%add3A_4] : memref<6400000xi32, #tpu.memory_space<hbm>> -> memref<3840xi32, #tpu.memory_space<hbm>>
    tpu.enqueue_dma source(%dma_start3A_21 : memref<3840xi32, #tpu.memory_space<hbm>>) target(%dma_start3A_20 : memref<3840xi32, #tpu.memory_space<vmem>>) target_semaphore(%dma_start3A_18 : memref<!tpu.dma_semaphore, #tpu.memory_space<semaphore_mem>>)
    %dma_start3A_22 = arith.constant 0 : i32
    %dma_start3A_23 = arith.constant 0 : i32
    %dma_start3A_24 = tpu.memref_slice %arg10[%dma_start3A_23] : memref<7680xi32, #tpu.memory_space<vmem>> -> memref<3840xi32, #tpu.memory_space<vmem>>
    %dma_start3A_25 = tpu.memref_slice %arg5[%add3A_4] : memref<6400000xi32, #tpu.memory_space<hbm>> -> memref<3840xi32, #tpu.memory_space<hbm>>
    %dma_start3A_26 = tpu.memref_slice %arg13[%dma_start3A_22] : memref<2x!tpu.dma_semaphore, #tpu.memory_space<semaphore_mem>> -> memref<1x!tpu.dma_semaphore, #tpu.memory_space<semaphore_mem>>
    %dma_start3A_27 = tpu.memref_squeeze %dma_start3A_26 : memref<1x!tpu.dma_semaphore, #tpu.memory_space<semaphore_mem>> -> memref<!tpu.dma_semaphore, #tpu.memory_space<semaphore_mem>>
    %dma_start3A_28 = arith.constant 0 : i32
    %dma_start3A_29 = tpu.memref_slice %arg10[%dma_start3A_28] : memref<7680xi32, #tpu.memory_space<vmem>> -> memref<3840xi32, #tpu.memory_space<vmem>>
    %dma_start3A_30 = tpu.memref_slice %arg5[%add3A_4] : memref<6400000xi32, #tpu.memory_space<hbm>> -> memref<3840xi32, #tpu.memory_space<hbm>>
    tpu.enqueue_dma source(%dma_start3A_30 : memref<3840xi32, #tpu.memory_space<hbm>>) target(%dma_start3A_29 : memref<3840xi32, #tpu.memory_space<vmem>>) target_semaphore(%dma_start3A_27 : memref<!tpu.dma_semaphore, #tpu.memory_space<semaphore_mem>>)
    %add3A_31 = arith.constant 3840 : i32
    %add3A_32 = arith.addi %mul3A_2, %add3A_31 : i32
    %dma_start3A_33 = arith.constant 1 : i32
    %dma_start3A_34 = arith.constant 3840 : i32
    %dma_start3A_35 = tpu.memref_slice %arg8[%dma_start3A_34] : memref<7680xf32, #tpu.memory_space<vmem>> -> memref<3840xf32, #tpu.memory_space<vmem>>
    %dma_start3A_36 = tpu.memref_slice %arg2[%add3A_32] : memref<6400000xf32, #tpu.memory_space<hbm>> -> memref<3840xf32, #tpu.memory_space<hbm>>
    %dma_start3A_37 = tpu.memref_slice %arg13[%dma_start3A_33] : memref<2x!tpu.dma_semaphore, #tpu.memory_space<semaphore_mem>> -> memref<1x!tpu.dma_semaphore, #tpu.memory_space<semaphore_mem>>
    %dma_start3A_38 = tpu.memref_squeeze %dma_start3A_37 : memref<1x!tpu.dma_semaphore, #tpu.memory_space<semaphore_mem>> -> memref<!tpu.dma_semaphore, #tpu.memory_space<semaphore_mem>>
    %dma_start3A_39 = arith.constant 3840 : i32
    %dma_start3A_40 = tpu.memref_slice %arg8[%dma_start3A_39] : memref<7680xf32, #tpu.memory_space<vmem>> -> memref<3840xf32, #tpu.memory_space<vmem>>
    %dma_start3A_41 = tpu.memref_slice %arg2[%add3A_32] : memref<6400000xf32, #tpu.memory_space<hbm>> -> memref<3840xf32, #tpu.memory_space<hbm>>
    tpu.enqueue_dma source(%dma_start3A_41 : memref<3840xf32, #tpu.memory_space<hbm>>) target(%dma_start3A_40 : memref<3840xf32, #tpu.memory_space<vmem>>) target_semaphore(%dma_start3A_38 : memref<!tpu.dma_semaphore, #tpu.memory_space<semaphore_mem>>)
    %dma_start3A_42 = arith.constant 1 : i32
    %dma_start3A_43 = arith.constant 3840 : i32
    %dma_start3A_44 = tpu.memref_slice %arg9[%dma_start3A_43] : memref<7680xi32, #tpu.memory_space<vmem>> -> memref<3840xi32, #tpu.memory_space<vmem>>
    %dma_start3A_45 = tpu.memref_slice %arg4[%add3A_32] : memref<6400000xi32, #tpu.memory_space<hbm>> -> memref<3840xi32, #tpu.memory_space<hbm>>
    %dma_start3A_46 = tpu.memref_slice %arg13[%dma_start3A_42] : memref<2x!tpu.dma_semaphore, #tpu.memory_space<semaphore_mem>> -> memref<1x!tpu.dma_semaphore, #tpu.memory_space<semaphore_mem>>
    %dma_start3A_47 = tpu.memref_squeeze %dma_start3A_46 : memref<1x!tpu.dma_semaphore, #tpu.memory_space<semaphore_mem>> -> memref<!tpu.dma_semaphore, #tpu.memory_space<semaphore_mem>>
    %dma_start3A_48 = arith.constant 3840 : i32
    %dma_start3A_49 = tpu.memref_slice %arg9[%dma_start3A_48] : memref<7680xi32, #tpu.memory_space<vmem>> -> memref<3840xi32, #tpu.memory_space<vmem>>
    %dma_start3A_50 = tpu.memref_slice %arg4[%add3A_32] : memref<6400000xi32, #tpu.memory_space<hbm>> -> memref<3840xi32, #tpu.memory_space<hbm>>
    tpu.enqueue_dma source(%dma_start3A_50 : memref<3840xi32, #tpu.memory_space<hbm>>) target(%dma_start3A_49 : memref<3840xi32, #tpu.memory_space<vmem>>) target_semaphore(%dma_start3A_47 : memref<!tpu.dma_semaphore, #tpu.memory_space<semaphore_mem>>)
    %dma_start3A_51 = arith.constant 1 : i32
    %dma_start3A_52 = arith.constant 3840 : i32
    %dma_start3A_53 = tpu.memref_slice %arg10[%dma_start3A_52] : memref<7680xi32, #tpu.memory_space<vmem>> -> memref<3840xi32, #tpu.memory_space<vmem>>
    %dma_start3A_54 = tpu.memref_slice %arg5[%add3A_32] : memref<6400000xi32, #tpu.memory_space<hbm>> -> memref<3840xi32, #tpu.memory_space<hbm>>
    %dma_start3A_55 = tpu.memref_slice %arg13[%dma_start3A_51] : memref<2x!tpu.dma_semaphore, #tpu.memory_space<semaphore_mem>> -> memref<1x!tpu.dma_semaphore, #tpu.memory_space<semaphore_mem>>
    %dma_start3A_56 = tpu.memref_squeeze %dma_start3A_55 : memref<1x!tpu.dma_semaphore, #tpu.memory_space<semaphore_mem>> -> memref<!tpu.dma_semaphore, #tpu.memory_space<semaphore_mem>>
    %dma_start3A_57 = arith.constant 3840 : i32
    %dma_start3A_58 = tpu.memref_slice %arg10[%dma_start3A_57] : memref<7680xi32, #tpu.memory_space<vmem>> -> memref<3840xi32, #tpu.memory_space<vmem>>
    %dma_start3A_59 = tpu.memref_slice %arg5[%add3A_32] : memref<6400000xi32, #tpu.memory_space<hbm>> -> memref<3840xi32, #tpu.memory_space<hbm>>
    tpu.enqueue_dma source(%dma_start3A_59 : memref<3840xi32, #tpu.memory_space<hbm>>) target(%dma_start3A_58 : memref<3840xi32, #tpu.memory_space<vmem>>) target_semaphore(%dma_start3A_56 : memref<!tpu.dma_semaphore, #tpu.memory_space<semaphore_mem>>)
    tpu.wait_dma2 semaphore(%arg12 : memref<!tpu.dma_semaphore, #tpu.memory_space<semaphore_mem>>) src(%arg3 : memref<100000xf32, #tpu.memory_space<hbm>>) dst(%arg7 : memref<100000xf32, #tpu.memory_space<vmem>>)
    %scan3A = arith.constant 0 : i32
    %scan3A_60 = arith.constant 0 : i32
    %scan3A_61 = arith.constant 52 : i32
    %scan3A_62 = arith.addi %scan3A_60, %scan3A_61 : i32
    %scan3A_63 = arith.constant 1 : i32
    scf.for %scan3A_90 = %scan3A_60 to %scan3A_62 step %scan3A_63  : i32 {
      %jit3A = arith.constant 2 : i32
      %eq3A = arith.constant 0 : i32
      %eq3A_91 = arith.cmpi eq, %jit3A, %eq3A : i32
      %jit3A_92 = arith.constant 1 : i32
      %select_n3A = arith.select %eq3A_91, %jit3A_92, %jit3A : i32
      %rem3A = arith.remsi %scan3A_90, %select_n3A : i32
      %ne3A = arith.constant 0 : i32
      %ne3A_93 = arith.cmpi ne, %rem3A, %ne3A : i32
      %lt3A = arith.constant 0 : i32
      %lt3A_94 = arith.cmpi slt, %rem3A, %lt3A : i32
      %lt3A_95 = arith.constant 0 : i32
      %lt3A_96 = arith.cmpi slt, %select_n3A, %lt3A_95 : i32
      %ne3A_97 = arith.xori %lt3A_94, %lt3A_96 : i1
      %and3A = arith.andi %ne3A_97, %ne3A_93 : i1
      %add3A_98 = arith.addi %rem3A, %select_n3A : i32
      %select_n3A_99 = arith.select %and3A, %add3A_98, %rem3A : i32
      %ge3A = arith.constant 2 : i32
      %ge3A_100 = arith.cmpi sge, %scan3A_90, %ge3A : i32
      %convert_element_type3A = arith.extui %ge3A_100 : i1 to i32
      %cond3A = arith.constant 0 : i32
      %cond3A_101 = arith.cmpi ne, %convert_element_type3A, %cond3A : i32
      scf.if %cond3A_101 {
        %mul3A_152 = arith.constant 3840 : i32
        %mul3A_153 = arith.muli %select_n3A_99, %mul3A_152 : i32
        %sub3A = arith.constant 2 : i32
        %sub3A_154 = arith.subi %scan3A_90, %sub3A : i32
        %mul3A_155 = arith.constant 3840 : i32
        %mul3A_156 = arith.muli %sub3A_154, %mul3A_155 : i32
        %add3A_157 = arith.addi %mul3A_2, %mul3A_156 : i32
        %dma_wait3A_158 = tpu.memref_slice %arg11[%mul3A_153] : memref<7680xf32, #tpu.memory_space<vmem>> -> memref<3840xf32, #tpu.memory_space<vmem>>
        %dma_wait3A_159 = tpu.memref_slice %arg6[%add3A_157] : memref<6400000xf32, #tpu.memory_space<hbm>> -> memref<3840xf32, #tpu.memory_space<hbm>>
        %dma_wait3A_160 = tpu.memref_slice %arg14[%select_n3A_99] : memref<2x!tpu.dma_semaphore, #tpu.memory_space<semaphore_mem>> -> memref<1x!tpu.dma_semaphore, #tpu.memory_space<semaphore_mem>>
        %dma_wait3A_161 = tpu.memref_squeeze %dma_wait3A_160 : memref<1x!tpu.dma_semaphore, #tpu.memory_space<semaphore_mem>> -> memref<!tpu.dma_semaphore, #tpu.memory_space<semaphore_mem>>
        %dma_wait3A_162 = tpu.memref_slice %arg6[%add3A_157] : memref<6400000xf32, #tpu.memory_space<hbm>> -> memref<3840xf32, #tpu.memory_space<hbm>>
        %dma_wait3A_163 = tpu.memref_slice %arg11[%mul3A_153] : memref<7680xf32, #tpu.memory_space<vmem>> -> memref<3840xf32, #tpu.memory_space<vmem>>
        tpu.wait_dma2 semaphore(%dma_wait3A_161 : memref<!tpu.dma_semaphore, #tpu.memory_space<semaphore_mem>>) src(%dma_wait3A_163 : memref<3840xf32, #tpu.memory_space<vmem>>) dst(%dma_wait3A_162 : memref<3840xf32, #tpu.memory_space<hbm>>)
      } else {
      }
      %mul3A_102 = arith.constant 3840 : i32
      %mul3A_103 = arith.muli %scan3A_90, %mul3A_102 : i32
      %add3A_104 = arith.addi %mul3A_2, %mul3A_103 : i32
      %mul3A_105 = arith.constant 3840 : i32
      %mul3A_106 = arith.muli %select_n3A_99, %mul3A_105 : i32
      %dma_wait3A_107 = tpu.memref_slice %arg8[%mul3A_106] : memref<7680xf32, #tpu.memory_space<vmem>> -> memref<3840xf32, #tpu.memory_space<vmem>>
      %dma_wait3A_108 = tpu.memref_slice %arg2[%add3A_104] : memref<6400000xf32, #tpu.memory_space<hbm>> -> memref<3840xf32, #tpu.memory_space<hbm>>
      %dma_wait3A_109 = tpu.memref_slice %arg13[%select_n3A_99] : memref<2x!tpu.dma_semaphore, #tpu.memory_space<semaphore_mem>> -> memref<1x!tpu.dma_semaphore, #tpu.memory_space<semaphore_mem>>
      %dma_wait3A_110 = tpu.memref_squeeze %dma_wait3A_109 : memref<1x!tpu.dma_semaphore, #tpu.memory_space<semaphore_mem>> -> memref<!tpu.dma_semaphore, #tpu.memory_space<semaphore_mem>>
      %dma_wait3A_111 = tpu.memref_slice %arg8[%mul3A_106] : memref<7680xf32, #tpu.memory_space<vmem>> -> memref<3840xf32, #tpu.memory_space<vmem>>
      %dma_wait3A_112 = tpu.memref_slice %arg2[%add3A_104] : memref<6400000xf32, #tpu.memory_space<hbm>> -> memref<3840xf32, #tpu.memory_space<hbm>>
      tpu.wait_dma2 semaphore(%dma_wait3A_110 : memref<!tpu.dma_semaphore, #tpu.memory_space<semaphore_mem>>) src(%dma_wait3A_112 : memref<3840xf32, #tpu.memory_space<hbm>>) dst(%dma_wait3A_111 : memref<3840xf32, #tpu.memory_space<vmem>>)
      %mul3A_113 = arith.constant 3840 : i32
      %mul3A_114 = arith.muli %select_n3A_99, %mul3A_113 : i32
      %dma_wait3A_115 = tpu.memref_slice %arg9[%mul3A_114] : memref<7680xi32, #tpu.memory_space<vmem>> -> memref<3840xi32, #tpu.memory_space<vmem>>
      %dma_wait3A_116 = tpu.memref_slice %arg4[%add3A_104] : memref<6400000xi32, #tpu.memory_space<hbm>> -> memref<3840xi32, #tpu.memory_space<hbm>>
      %dma_wait3A_117 = tpu.memref_slice %arg13[%select_n3A_99] : memref<2x!tpu.dma_semaphore, #tpu.memory_space<semaphore_mem>> -> memref<1x!tpu.dma_semaphore, #tpu.memory_space<semaphore_mem>>
      %dma_wait3A_118 = tpu.memref_squeeze %dma_wait3A_117 : memref<1x!tpu.dma_semaphore, #tpu.memory_space<semaphore_mem>> -> memref<!tpu.dma_semaphore, #tpu.memory_space<semaphore_mem>>
      %dma_wait3A_119 = tpu.memref_slice %arg9[%mul3A_114] : memref<7680xi32, #tpu.memory_space<vmem>> -> memref<3840xi32, #tpu.memory_space<vmem>>
      %dma_wait3A_120 = tpu.memref_slice %arg4[%add3A_104] : memref<6400000xi32, #tpu.memory_space<hbm>> -> memref<3840xi32, #tpu.memory_space<hbm>>
      tpu.wait_dma2 semaphore(%dma_wait3A_118 : memref<!tpu.dma_semaphore, #tpu.memory_space<semaphore_mem>>) src(%dma_wait3A_120 : memref<3840xi32, #tpu.memory_space<hbm>>) dst(%dma_wait3A_119 : memref<3840xi32, #tpu.memory_space<vmem>>)
      %mul3A_121 = arith.constant 3840 : i32
      %mul3A_122 = arith.muli %select_n3A_99, %mul3A_121 : i32
      %dma_wait3A_123 = tpu.memref_slice %arg10[%mul3A_122] : memref<7680xi32, #tpu.memory_space<vmem>> -> memref<3840xi32, #tpu.memory_space<vmem>>
      %dma_wait3A_124 = tpu.memref_slice %arg5[%add3A_104] : memref<6400000xi32, #tpu.memory_space<hbm>> -> memref<3840xi32, #tpu.memory_space<hbm>>
      %dma_wait3A_125 = tpu.memref_slice %arg13[%select_n3A_99] : memref<2x!tpu.dma_semaphore, #tpu.memory_space<semaphore_mem>> -> memref<1x!tpu.dma_semaphore, #tpu.memory_space<semaphore_mem>>
      %dma_wait3A_126 = tpu.memref_squeeze %dma_wait3A_125 : memref<1x!tpu.dma_semaphore, #tpu.memory_space<semaphore_mem>> -> memref<!tpu.dma_semaphore, #tpu.memory_space<semaphore_mem>>
      %dma_wait3A_127 = tpu.memref_slice %arg10[%mul3A_122] : memref<7680xi32, #tpu.memory_space<vmem>> -> memref<3840xi32, #tpu.memory_space<vmem>>
      %dma_wait3A_128 = tpu.memref_slice %arg5[%add3A_104] : memref<6400000xi32, #tpu.memory_space<hbm>> -> memref<3840xi32, #tpu.memory_space<hbm>>
      tpu.wait_dma2 semaphore(%dma_wait3A_126 : memref<!tpu.dma_semaphore, #tpu.memory_space<semaphore_mem>>) src(%dma_wait3A_128 : memref<3840xi32, #tpu.memory_space<hbm>>) dst(%dma_wait3A_127 : memref<3840xi32, #tpu.memory_space<vmem>>)
      %mul3A_129 = arith.constant 3840 : i32
      %mul3A_130 = arith.muli %select_n3A_99, %mul3A_129 : i32
      %parallel_loop3A_131 = arith.constant 0 : i32
      %parallel_loop3A_132 = arith.constant 3840 : i32
      %parallel_loop3A_133 = arith.constant 16 : i32
      scf.for %parallel_loop3A_152 = %parallel_loop3A_131 to %parallel_loop3A_132 step %parallel_loop3A_133  : i32 {
        %parallel_loop3A_153 = arith.addi %mul3A_130, %parallel_loop3A_152 : i32
        %parallel_loop3A_154 = arith.index_cast %parallel_loop3A_153 : i32 to index
        %parallel_loop3A_155 = tpu.vector_load %arg8[%parallel_loop3A_154] {strides = array<i32>} : memref<7680xf32, #tpu.memory_space<vmem>>, vector<16xf32>,
        %parallel_loop3A_156 = arith.index_cast %parallel_loop3A_153 : i32 to index
        %parallel_loop3A_157 = tpu.vector_load %arg9[%parallel_loop3A_156] {strides = array<i32>} : memref<7680xi32, #tpu.memory_space<vmem>>, vector<16xi32>,
        %parallel_loop3A_158 = tpu.vector_load_idx %arg7[%parallel_loop3A_157] : memref<100000xf32, #tpu.memory_space<vmem>>[vector<16xi32>], vector<16xf32>,
        %parallel_loop3A_159 = arith.index_cast %parallel_loop3A_153 : i32 to index
        %parallel_loop3A_160 = tpu.vector_load %arg10[%parallel_loop3A_159] {strides = array<i32>} : memref<7680xi32, #tpu.memory_space<vmem>>, vector<16xi32>,
        %parallel_loop3A_161 = tpu.vector_load_idx %arg7[%parallel_loop3A_160] : memref<100000xf32, #tpu.memory_space<vmem>>[vector<16xi32>], vector<16xf32>,
        %parallel_loop3A_162 = arith.constant 2.000000e+00 : f32
        %parallel_loop3A_163 = vector.broadcast %parallel_loop3A_162 : f32 to vector<16xf32>
        %parallel_loop3A_164 = arith.minimumf %parallel_loop3A_155, %parallel_loop3A_163 : vector<16xf32>
        %parallel_loop3A_165 = arith.mulf %parallel_loop3A_164, %parallel_loop3A_164 : vector<16xf32>
        %parallel_loop3A_166 = arith.mulf %parallel_loop3A_165, %parallel_loop3A_164 : vector<16xf32>
        %parallel_loop3A_167 = arith.constant 1.875000e-01 : f32
        %parallel_loop3A_168 = vector.broadcast %parallel_loop3A_167 : f32 to vector<16xf32>
        %parallel_loop3A_169 = arith.mulf %parallel_loop3A_168, %parallel_loop3A_164 : vector<16xf32>
        %parallel_loop3A_170 = arith.constant 9.375000e-01 : f32
        %parallel_loop3A_171 = vector.broadcast %parallel_loop3A_170 : f32 to vector<16xf32>
        %parallel_loop3A_172 = arith.subf %parallel_loop3A_169, %parallel_loop3A_171 : vector<16xf32>
        %parallel_loop3A_173 = arith.mulf %parallel_loop3A_172, %parallel_loop3A_164 : vector<16xf32>
        %parallel_loop3A_174 = arith.constant 1.250000e+00 : f32
        %parallel_loop3A_175 = vector.broadcast %parallel_loop3A_174 : f32 to vector<16xf32>
        %parallel_loop3A_176 = arith.addf %parallel_loop3A_173, %parallel_loop3A_175 : vector<16xf32>
        %parallel_loop3A_177 = arith.mulf %parallel_loop3A_166, %parallel_loop3A_176 : vector<16xf32>
        %parallel_loop3A_178 = arith.mulf %parallel_loop3A_155, %parallel_loop3A_155 : vector<16xf32>
        %parallel_loop3A_179 = arith.constant 1.000000e+00 : f32
        %parallel_loop3A_180 = vector.broadcast %parallel_loop3A_179 : f32 to vector<16xf32>
        %parallel_loop3A_181 = arith.addf %parallel_loop3A_178, %parallel_loop3A_180 : vector<16xf32>
        %parallel_loop3A_182 = tpu.bitcast %parallel_loop3A_181 : vector<16xf32> -> vector<16xi32>
        %parallel_loop3A_183 = arith.constant 1 : i32
        %parallel_loop3A_184 = vector.broadcast %parallel_loop3A_183 : i32 to vector<16xi32>
        %parallel_loop3A_185 = arith.shrsi %parallel_loop3A_182, %parallel_loop3A_184 : vector<16xi32>
        %parallel_loop3A_186 = arith.constant 1597463007 : i32
        %parallel_loop3A_187 = vector.broadcast %parallel_loop3A_186 : i32 to vector<16xi32>
        %parallel_loop3A_188 = arith.subi %parallel_loop3A_187, %parallel_loop3A_185 : vector<16xi32>
        %parallel_loop3A_189 = tpu.bitcast %parallel_loop3A_188 : vector<16xi32> -> vector<16xf32>
        %parallel_loop3A_190 = arith.constant 5.000000e-01 : f32
        %parallel_loop3A_191 = vector.broadcast %parallel_loop3A_190 : f32 to vector<16xf32>
        %parallel_loop3A_192 = arith.mulf %parallel_loop3A_191, %parallel_loop3A_181 : vector<16xf32>
        %parallel_loop3A_193 = arith.mulf %parallel_loop3A_192, %parallel_loop3A_189 : vector<16xf32>
        %parallel_loop3A_194 = arith.mulf %parallel_loop3A_193, %parallel_loop3A_189 : vector<16xf32>
        %parallel_loop3A_195 = arith.constant 1.500000e+00 : f32
        %parallel_loop3A_196 = vector.broadcast %parallel_loop3A_195 : f32 to vector<16xf32>
        %parallel_loop3A_197 = arith.subf %parallel_loop3A_196, %parallel_loop3A_194 : vector<16xf32>
        %parallel_loop3A_198 = arith.mulf %parallel_loop3A_189, %parallel_loop3A_197 : vector<16xf32>
        %parallel_loop3A_199 = arith.constant 1.000000e+00 : f32
        %parallel_loop3A_200 = vector.broadcast %parallel_loop3A_199 : f32 to vector<16xf32>
        %parallel_loop3A_201 = arith.divf %parallel_loop3A_200, %parallel_loop3A_155 : vector<16xf32>
        %parallel_loop3A_202 = arith.subf %parallel_loop3A_201, %parallel_loop3A_198 : vector<16xf32>
        %parallel_loop3A_203 = arith.mulf %parallel_loop3A_177, %parallel_loop3A_202 : vector<16xf32>
        %parallel_loop3A_204 = arith.addf %parallel_loop3A_198, %parallel_loop3A_203 : vector<16xf32>
        %parallel_loop3A_205 = arith.constant 2.000000e-01 : f32
        %parallel_loop3A_206 = vector.broadcast %parallel_loop3A_205 : f32 to vector<16xf32>
        %parallel_loop3A_207 = arith.subf %parallel_loop3A_204, %parallel_loop3A_206 : vector<16xf32>
        %parallel_loop3A_208 = arith.constant 0.00999999977 : f32
        %parallel_loop3A_209 = vector.broadcast %parallel_loop3A_208 : f32 to vector<16xf32>
        %parallel_loop3A_210 = arith.mulf %parallel_loop3A_155, %parallel_loop3A_209 : vector<16xf32>
        %parallel_loop3A_211 = arith.addf %parallel_loop3A_207, %parallel_loop3A_210 : vector<16xf32>
        %parallel_loop3A_212 = arith.mulf %parallel_loop3A_158, %parallel_loop3A_161 : vector<16xf32>
        %parallel_loop3A_213 = arith.mulf %parallel_loop3A_212, %parallel_loop3A_211 : vector<16xf32>
        %parallel_loop3A_214 = arith.constant 1.000000e+01 : f32
        %parallel_loop3A_215 = vector.broadcast %parallel_loop3A_214 : f32 to vector<16xf32>
        %parallel_loop3A_216 = arith.cmpf ole, %parallel_loop3A_155, %parallel_loop3A_215 : vector<16xf32>
        %parallel_loop3A_217 = arith.constant 0.000000e+00 : f32
        %parallel_loop3A_218 = vector.broadcast %parallel_loop3A_217 : f32 to vector<16xf32>
        %parallel_loop3A_219 = arith.select %parallel_loop3A_216, %parallel_loop3A_213, %parallel_loop3A_218 : vector<16xi1>, vector<16xf32>
        %parallel_loop3A_220 = arith.index_cast %parallel_loop3A_153 : i32 to index
        %parallel_loop3A_221 = tpu.vector_load %arg11[%parallel_loop3A_220] {strides = array<i32>} : memref<7680xf32, #tpu.memory_space<vmem>>, vector<16xf32>,
        tpu.vector_store %arg11[%parallel_loop3A_220], %parallel_loop3A_219 {strides = array<i32>} : memref<7680xf32, #tpu.memory_space<vmem>>, vector<16xf32>,
      } {sc.loop_unroll_factor = 8 : i64, sc.parallel_access}
      %mul3A_134 = arith.constant 3840 : i32
      %mul3A_135 = arith.muli %select_n3A_99, %mul3A_134 : i32
      %mul3A_136 = arith.constant 3840 : i32
      %mul3A_137 = arith.muli %scan3A_90, %mul3A_136 : i32
      %add3A_138 = arith.addi %mul3A_2, %mul3A_137 : i32
      %dma_start3A_139 = tpu.memref_slice %arg11[%mul3A_135] : memref<7680xf32, #tpu.memory_space<vmem>> -> memref<3840xf32, #tpu.memory_space<vmem>>
      %dma_start3A_140 = tpu.memref_slice %arg6[%add3A_138] : memref<6400000xf32, #tpu.memory_space<hbm>> -> memref<3840xf32, #tpu.memory_space<hbm>>
      %dma_start3A_141 = tpu.memref_slice %arg14[%select_n3A_99] : memref<2x!tpu.dma_semaphore, #tpu.memory_space<semaphore_mem>> -> memref<1x!tpu.dma_semaphore, #tpu.memory_space<semaphore_mem>>
      %dma_start3A_142 = tpu.memref_squeeze %dma_start3A_141 : memref<1x!tpu.dma_semaphore, #tpu.memory_space<semaphore_mem>> -> memref<!tpu.dma_semaphore, #tpu.memory_space<semaphore_mem>>
      %dma_start3A_143 = tpu.memref_slice %arg6[%add3A_138] : memref<6400000xf32, #tpu.memory_space<hbm>> -> memref<3840xf32, #tpu.memory_space<hbm>>
      %dma_start3A_144 = tpu.memref_slice %arg11[%mul3A_135] : memref<7680xf32, #tpu.memory_space<vmem>> -> memref<3840xf32, #tpu.memory_space<vmem>>
      tpu.enqueue_dma source(%dma_start3A_144 : memref<3840xf32, #tpu.memory_space<vmem>>) target(%dma_start3A_143 : memref<3840xf32, #tpu.memory_space<hbm>>) target_semaphore(%dma_start3A_142 : memref<!tpu.dma_semaphore, #tpu.memory_space<semaphore_mem>>)
      %add3A_145 = arith.constant 2 : i32
      %add3A_146 = arith.addi %scan3A_90, %add3A_145 : i32
      %lt3A_147 = arith.constant 52 : i32
      %lt3A_148 = arith.cmpi slt, %add3A_146, %lt3A_147 : i32
      %convert_element_type3A_149 = arith.extui %lt3A_148 : i1 to i32
      %cond3A_150 = arith.constant 0 : i32
      %cond3A_151 = arith.cmpi ne, %convert_element_type3A_149, %cond3A_150 : i32
      scf.if %cond3A_151 {
        %add3A_152 = arith.constant 2 : i32
        %add3A_153 = arith.addi %scan3A_90, %add3A_152 : i32
        %mul3A_154 = arith.constant 3840 : i32
        %mul3A_155 = arith.muli %add3A_153, %mul3A_154 : i32
        %add3A_156 = arith.addi %mul3A_2, %mul3A_155 : i32
        %mul3A_157 = arith.constant 3840 : i32
        %mul3A_158 = arith.muli %select_n3A_99, %mul3A_157 : i32
        %dma_start3A_159 = tpu.memref_slice %arg8[%mul3A_158] : memref<7680xf32, #tpu.memory_space<vmem>> -> memref<3840xf32, #tpu.memory_space<vmem>>
        %dma_start3A_160 = tpu.memref_slice %arg2[%add3A_156] : memref<6400000xf32, #tpu.memory_space<hbm>> -> memref<3840xf32, #tpu.memory_space<hbm>>
        %dma_start3A_161 = tpu.memref_slice %arg13[%select_n3A_99] : memref<2x!tpu.dma_semaphore, #tpu.memory_space<semaphore_mem>> -> memref<1x!tpu.dma_semaphore, #tpu.memory_space<semaphore_mem>>
        %dma_start3A_162 = tpu.memref_squeeze %dma_start3A_161 : memref<1x!tpu.dma_semaphore, #tpu.memory_space<semaphore_mem>> -> memref<!tpu.dma_semaphore, #tpu.memory_space<semaphore_mem>>
        %dma_start3A_163 = tpu.memref_slice %arg8[%mul3A_158] : memref<7680xf32, #tpu.memory_space<vmem>> -> memref<3840xf32, #tpu.memory_space<vmem>>
        %dma_start3A_164 = tpu.memref_slice %arg2[%add3A_156] : memref<6400000xf32, #tpu.memory_space<hbm>> -> memref<3840xf32, #tpu.memory_space<hbm>>
        tpu.enqueue_dma source(%dma_start3A_164 : memref<3840xf32, #tpu.memory_space<hbm>>) target(%dma_start3A_163 : memref<3840xf32, #tpu.memory_space<vmem>>) target_semaphore(%dma_start3A_162 : memref<!tpu.dma_semaphore, #tpu.memory_space<semaphore_mem>>)
        %mul3A_165 = arith.constant 3840 : i32
        %mul3A_166 = arith.muli %select_n3A_99, %mul3A_165 : i32
        %dma_start3A_167 = tpu.memref_slice %arg9[%mul3A_166] : memref<7680xi32, #tpu.memory_space<vmem>> -> memref<3840xi32, #tpu.memory_space<vmem>>
        %dma_start3A_168 = tpu.memref_slice %arg4[%add3A_156] : memref<6400000xi32, #tpu.memory_space<hbm>> -> memref<3840xi32, #tpu.memory_space<hbm>>
        %dma_start3A_169 = tpu.memref_slice %arg13[%select_n3A_99] : memref<2x!tpu.dma_semaphore, #tpu.memory_space<semaphore_mem>> -> memref<1x!tpu.dma_semaphore, #tpu.memory_space<semaphore_mem>>
        %dma_start3A_170 = tpu.memref_squeeze %dma_start3A_169 : memref<1x!tpu.dma_semaphore, #tpu.memory_space<semaphore_mem>> -> memref<!tpu.dma_semaphore, #tpu.memory_space<semaphore_mem>>
        %dma_start3A_171 = tpu.memref_slice %arg9[%mul3A_166] : memref<7680xi32, #tpu.memory_space<vmem>> -> memref<3840xi32, #tpu.memory_space<vmem>>
        %dma_start3A_172 = tpu.memref_slice %arg4[%add3A_156] : memref<6400000xi32, #tpu.memory_space<hbm>> -> memref<3840xi32, #tpu.memory_space<hbm>>
        tpu.enqueue_dma source(%dma_start3A_172 : memref<3840xi32, #tpu.memory_space<hbm>>) target(%dma_start3A_171 : memref<3840xi32, #tpu.memory_space<vmem>>) target_semaphore(%dma_start3A_170 : memref<!tpu.dma_semaphore, #tpu.memory_space<semaphore_mem>>)
        %mul3A_173 = arith.constant 3840 : i32
        %mul3A_174 = arith.muli %select_n3A_99, %mul3A_173 : i32
        %dma_start3A_175 = tpu.memref_slice %arg10[%mul3A_174] : memref<7680xi32, #tpu.memory_space<vmem>> -> memref<3840xi32, #tpu.memory_space<vmem>>
        %dma_start3A_176 = tpu.memref_slice %arg5[%add3A_156] : memref<6400000xi32, #tpu.memory_space<hbm>> -> memref<3840xi32, #tpu.memory_space<hbm>>
        %dma_start3A_177 = tpu.memref_slice %arg13[%select_n3A_99] : memref<2x!tpu.dma_semaphore, #tpu.memory_space<semaphore_mem>> -> memref<1x!tpu.dma_semaphore, #tpu.memory_space<semaphore_mem>>
        %dma_start3A_178 = tpu.memref_squeeze %dma_start3A_177 : memref<1x!tpu.dma_semaphore, #tpu.memory_space<semaphore_mem>> -> memref<!tpu.dma_semaphore, #tpu.memory_space<semaphore_mem>>
        %dma_start3A_179 = tpu.memref_slice %arg10[%mul3A_174] : memref<7680xi32, #tpu.memory_space<vmem>> -> memref<3840xi32, #tpu.memory_space<vmem>>
        %dma_start3A_180 = tpu.memref_slice %arg5[%add3A_156] : memref<6400000xi32, #tpu.memory_space<hbm>> -> memref<3840xi32, #tpu.memory_space<hbm>>
        tpu.enqueue_dma source(%dma_start3A_180 : memref<3840xi32, #tpu.memory_space<hbm>>) target(%dma_start3A_179 : memref<3840xi32, #tpu.memory_space<vmem>>) target_semaphore(%dma_start3A_178 : memref<!tpu.dma_semaphore, #tpu.memory_space<semaphore_mem>>)
      } else {
      }
    }
    %scan3A_64 = arith.constant 52 : i32
    %add3A_65 = arith.constant 192000 : i32
    %add3A_66 = arith.addi %mul3A_2, %add3A_65 : i32
    %dma_wait3A = arith.constant 0 : i32
    %dma_wait3A_67 = arith.constant 0 : i32
    %dma_wait3A_68 = tpu.memref_slice %arg11[%dma_wait3A_67] : memref<7680xf32, #tpu.memory_space<vmem>> -> memref<3840xf32, #tpu.memory_space<vmem>>
    %dma_wait3A_69 = tpu.memref_slice %arg6[%add3A_66] : memref<6400000xf32, #tpu.memory_space<hbm>> -> memref<3840xf32, #tpu.memory_space<hbm>>
    %dma_wait3A_70 = tpu.memref_slice %arg14[%dma_wait3A] : memref<2x!tpu.dma_semaphore, #tpu.memory_space<semaphore_mem>> -> memref<1x!tpu.dma_semaphore, #tpu.memory_space<semaphore_mem>>
    %dma_wait3A_71 = tpu.memref_squeeze %dma_wait3A_70 : memref<1x!tpu.dma_semaphore, #tpu.memory_space<semaphore_mem>> -> memref<!tpu.dma_semaphore, #tpu.memory_space<semaphore_mem>>
    %dma_wait3A_72 = tpu.memref_slice %arg6[%add3A_66] : memref<6400000xf32, #tpu.memory_space<hbm>> -> memref<3840xf32, #tpu.memory_space<hbm>>
    %dma_wait3A_73 = arith.constant 0 : i32
    %dma_wait3A_74 = tpu.memref_slice %arg11[%dma_wait3A_73] : memref<7680xf32, #tpu.memory_space<vmem>> -> memref<3840xf32, #tpu.memory_space<vmem>>
    tpu.wait_dma2 semaphore(%dma_wait3A_71 : memref<!tpu.dma_semaphore, #tpu.memory_space<semaphore_mem>>) src(%dma_wait3A_74 : memref<3840xf32, #tpu.memory_space<vmem>>) dst(%dma_wait3A_72 : memref<3840xf32, #tpu.memory_space<hbm>>)
    %add3A_75 = arith.constant 195840 : i32
    %add3A_76 = arith.addi %mul3A_2, %add3A_75 : i32
    %dma_wait3A_77 = arith.constant 1 : i32
    %dma_wait3A_78 = arith.constant 3840 : i32
    %dma_wait3A_79 = tpu.memref_slice %arg11[%dma_wait3A_78] : memref<7680xf32, #tpu.memory_space<vmem>> -> memref<3840xf32, #tpu.memory_space<vmem>>
    %dma_wait3A_80 = tpu.memref_slice %arg6[%add3A_76] : memref<6400000xf32, #tpu.memory_space<hbm>> -> memref<3840xf32, #tpu.memory_space<hbm>>
    %dma_wait3A_81 = tpu.memref_slice %arg14[%dma_wait3A_77] : memref<2x!tpu.dma_semaphore, #tpu.memory_space<semaphore_mem>> -> memref<1x!tpu.dma_semaphore, #tpu.memory_space<semaphore_mem>>
    %dma_wait3A_82 = tpu.memref_squeeze %dma_wait3A_81 : memref<1x!tpu.dma_semaphore, #tpu.memory_space<semaphore_mem>> -> memref<!tpu.dma_semaphore, #tpu.memory_space<semaphore_mem>>
    %dma_wait3A_83 = tpu.memref_slice %arg6[%add3A_76] : memref<6400000xf32, #tpu.memory_space<hbm>> -> memref<3840xf32, #tpu.memory_space<hbm>>
    %dma_wait3A_84 = arith.constant 3840 : i32
    %dma_wait3A_85 = tpu.memref_slice %arg11[%dma_wait3A_84] : memref<7680xf32, #tpu.memory_space<vmem>> -> memref<3840xf32, #tpu.memory_space<vmem>>
    tpu.wait_dma2 semaphore(%dma_wait3A_82 : memref<!tpu.dma_semaphore, #tpu.memory_space<semaphore_mem>>) src(%dma_wait3A_85 : memref<3840xf32, #tpu.memory_space<vmem>>) dst(%dma_wait3A_83 : memref<3840xf32, #tpu.memory_space<hbm>>)
    %add3A_86 = arith.constant 199680 : i32
    %add3A_87 = arith.addi %mul3A_2, %add3A_86 : i32
    "tpu.region"() ({
      %run_scoped3A = tpu.sem_alloc : memref<!tpu.dma_semaphore, #tpu.memory_space<semaphore_mem>>
      %dma_start3A_90 = arith.constant 0 : i32
      %dma_start3A_91 = tpu.memref_slice %arg8[%dma_start3A_90] : memref<7680xf32, #tpu.memory_space<vmem>> -> memref<320xf32, #tpu.memory_space<vmem>>
      %dma_start3A_92 = tpu.memref_slice %arg2[%add3A_87] : memref<6400000xf32, #tpu.memory_space<hbm>> -> memref<320xf32, #tpu.memory_space<hbm>>
      %dma_start3A_93 = arith.constant 0 : i32
      %dma_start3A_94 = tpu.memref_slice %arg8[%dma_start3A_93] : memref<7680xf32, #tpu.memory_space<vmem>> -> memref<320xf32, #tpu.memory_space<vmem>>
      %dma_start3A_95 = tpu.memref_slice %arg2[%add3A_87] : memref<6400000xf32, #tpu.memory_space<hbm>> -> memref<320xf32, #tpu.memory_space<hbm>>
      tpu.enqueue_dma source(%dma_start3A_95 : memref<320xf32, #tpu.memory_space<hbm>>) target(%dma_start3A_94 : memref<320xf32, #tpu.memory_space<vmem>>) target_semaphore(%run_scoped3A : memref<!tpu.dma_semaphore, #tpu.memory_space<semaphore_mem>>)
      %dma_wait3A_96 = arith.constant 0 : i32
      %dma_wait3A_97 = tpu.memref_slice %arg8[%dma_wait3A_96] : memref<7680xf32, #tpu.memory_space<vmem>> -> memref<320xf32, #tpu.memory_space<vmem>>
      %dma_wait3A_98 = tpu.memref_slice %arg2[%add3A_87] : memref<6400000xf32, #tpu.memory_space<hbm>> -> memref<320xf32, #tpu.memory_space<hbm>>
      %dma_wait3A_99 = arith.constant 0 : i32
      %dma_wait3A_100 = tpu.memref_slice %arg8[%dma_wait3A_99] : memref<7680xf32, #tpu.memory_space<vmem>> -> memref<320xf32, #tpu.memory_space<vmem>>
      %dma_wait3A_101 = tpu.memref_slice %arg2[%add3A_87] : memref<6400000xf32, #tpu.memory_space<hbm>> -> memref<320xf32, #tpu.memory_space<hbm>>
      tpu.wait_dma2 semaphore(%run_scoped3A : memref<!tpu.dma_semaphore, #tpu.memory_space<semaphore_mem>>) src(%dma_wait3A_101 : memref<320xf32, #tpu.memory_space<hbm>>) dst(%dma_wait3A_100 : memref<320xf32, #tpu.memory_space<vmem>>)
      tpu.yield
    }) : () -> ()
    "tpu.region"() ({
      %run_scoped3A = tpu.sem_alloc : memref<!tpu.dma_semaphore, #tpu.memory_space<semaphore_mem>>
      %dma_start3A_90 = arith.constant 0 : i32
      %dma_start3A_91 = tpu.memref_slice %arg9[%dma_start3A_90] : memref<7680xi32, #tpu.memory_space<vmem>> -> memref<320xi32, #tpu.memory_space<vmem>>
      %dma_start3A_92 = tpu.memref_slice %arg4[%add3A_87] : memref<6400000xi32, #tpu.memory_space<hbm>> -> memref<320xi32, #tpu.memory_space<hbm>>
      %dma_start3A_93 = arith.constant 0 : i32
      %dma_start3A_94 = tpu.memref_slice %arg9[%dma_start3A_93] : memref<7680xi32, #tpu.memory_space<vmem>> -> memref<320xi32, #tpu.memory_space<vmem>>
      %dma_start3A_95 = tpu.memref_slice %arg4[%add3A_87] : memref<6400000xi32, #tpu.memory_space<hbm>> -> memref<320xi32, #tpu.memory_space<hbm>>
      tpu.enqueue_dma source(%dma_start3A_95 : memref<320xi32, #tpu.memory_space<hbm>>) target(%dma_start3A_94 : memref<320xi32, #tpu.memory_space<vmem>>) target_semaphore(%run_scoped3A : memref<!tpu.dma_semaphore, #tpu.memory_space<semaphore_mem>>)
      %dma_wait3A_96 = arith.constant 0 : i32
      %dma_wait3A_97 = tpu.memref_slice %arg9[%dma_wait3A_96] : memref<7680xi32, #tpu.memory_space<vmem>> -> memref<320xi32, #tpu.memory_space<vmem>>
      %dma_wait3A_98 = tpu.memref_slice %arg4[%add3A_87] : memref<6400000xi32, #tpu.memory_space<hbm>> -> memref<320xi32, #tpu.memory_space<hbm>>
      %dma_wait3A_99 = arith.constant 0 : i32
      %dma_wait3A_100 = tpu.memref_slice %arg9[%dma_wait3A_99] : memref<7680xi32, #tpu.memory_space<vmem>> -> memref<320xi32, #tpu.memory_space<vmem>>
      %dma_wait3A_101 = tpu.memref_slice %arg4[%add3A_87] : memref<6400000xi32, #tpu.memory_space<hbm>> -> memref<320xi32, #tpu.memory_space<hbm>>
      tpu.wait_dma2 semaphore(%run_scoped3A : memref<!tpu.dma_semaphore, #tpu.memory_space<semaphore_mem>>) src(%dma_wait3A_101 : memref<320xi32, #tpu.memory_space<hbm>>) dst(%dma_wait3A_100 : memref<320xi32, #tpu.memory_space<vmem>>)
      tpu.yield
    }) : () -> ()
    "tpu.region"() ({
      %run_scoped3A = tpu.sem_alloc : memref<!tpu.dma_semaphore, #tpu.memory_space<semaphore_mem>>
      %dma_start3A_90 = arith.constant 0 : i32
      %dma_start3A_91 = tpu.memref_slice %arg10[%dma_start3A_90] : memref<7680xi32, #tpu.memory_space<vmem>> -> memref<320xi32, #tpu.memory_space<vmem>>
      %dma_start3A_92 = tpu.memref_slice %arg5[%add3A_87] : memref<6400000xi32, #tpu.memory_space<hbm>> -> memref<320xi32, #tpu.memory_space<hbm>>
      %dma_start3A_93 = arith.constant 0 : i32
      %dma_start3A_94 = tpu.memref_slice %arg10[%dma_start3A_93] : memref<7680xi32, #tpu.memory_space<vmem>> -> memref<320xi32, #tpu.memory_space<vmem>>
      %dma_start3A_95 = tpu.memref_slice %arg5[%add3A_87] : memref<6400000xi32, #tpu.memory_space<hbm>> -> memref<320xi32, #tpu.memory_space<hbm>>
      tpu.enqueue_dma source(%dma_start3A_95 : memref<320xi32, #tpu.memory_space<hbm>>) target(%dma_start3A_94 : memref<320xi32, #tpu.memory_space<vmem>>) target_semaphore(%run_scoped3A : memref<!tpu.dma_semaphore, #tpu.memory_space<semaphore_mem>>)
      %dma_wait3A_96 = arith.constant 0 : i32
      %dma_wait3A_97 = tpu.memref_slice %arg10[%dma_wait3A_96] : memref<7680xi32, #tpu.memory_space<vmem>> -> memref<320xi32, #tpu.memory_space<vmem>>
      %dma_wait3A_98 = tpu.memref_slice %arg5[%add3A_87] : memref<6400000xi32, #tpu.memory_space<hbm>> -> memref<320xi32, #tpu.memory_space<hbm>>
      %dma_wait3A_99 = arith.constant 0 : i32
      %dma_wait3A_100 = tpu.memref_slice %arg10[%dma_wait3A_99] : memref<7680xi32, #tpu.memory_space<vmem>> -> memref<320xi32, #tpu.memory_space<vmem>>
      %dma_wait3A_101 = tpu.memref_slice %arg5[%add3A_87] : memref<6400000xi32, #tpu.memory_space<hbm>> -> memref<320xi32, #tpu.memory_space<hbm>>
      tpu.wait_dma2 semaphore(%run_scoped3A : memref<!tpu.dma_semaphore, #tpu.memory_space<semaphore_mem>>) src(%dma_wait3A_101 : memref<320xi32, #tpu.memory_space<hbm>>) dst(%dma_wait3A_100 : memref<320xi32, #tpu.memory_space<vmem>>)
      tpu.yield
    }) : () -> ()
    %parallel_loop3A = arith.constant 0 : i32
    %parallel_loop3A_88 = arith.constant 320 : i32
    %parallel_loop3A_89 = arith.constant 16 : i32
    scf.for %parallel_loop3A_90 = %parallel_loop3A to %parallel_loop3A_88 step %parallel_loop3A_89  : i32 {
      %parallel_loop3A_91 = arith.index_cast %parallel_loop3A_90 : i32 to index
      %parallel_loop3A_92 = tpu.vector_load %arg8[%parallel_loop3A_91] {strides = array<i32>} : memref<7680xf32, #tpu.memory_space<vmem>>, vector<16xf32>,
      %parallel_loop3A_93 = arith.index_cast %parallel_loop3A_90 : i32 to index
      %parallel_loop3A_94 = tpu.vector_load %arg9[%parallel_loop3A_93] {strides = array<i32>} : memref<7680xi32, #tpu.memory_space<vmem>>, vector<16xi32>,
      %parallel_loop3A_95 = tpu.vector_load_idx %arg7[%parallel_loop3A_94] : memref<100000xf32, #tpu.memory_space<vmem>>[vector<16xi32>], vector<16xf32>,
      %parallel_loop3A_96 = arith.index_cast %parallel_loop3A_90 : i32 to index
      %parallel_loop3A_97 = tpu.vector_load %arg10[%parallel_loop3A_96] {strides = array<i32>} : memref<7680xi32, #tpu.memory_space<vmem>>, vector<16xi32>,
      %parallel_loop3A_98 = tpu.vector_load_idx %arg7[%parallel_loop3A_97] : memref<100000xf32, #tpu.memory_space<vmem>>[vector<16xi32>], vector<16xf32>,
      %parallel_loop3A_99 = arith.constant 2.000000e+00 : f32
      %parallel_loop3A_100 = vector.broadcast %parallel_loop3A_99 : f32 to vector<16xf32>
      %parallel_loop3A_101 = arith.minimumf %parallel_loop3A_92, %parallel_loop3A_100 : vector<16xf32>
      %parallel_loop3A_102 = arith.mulf %parallel_loop3A_101, %parallel_loop3A_101 : vector<16xf32>
      %parallel_loop3A_103 = arith.mulf %parallel_loop3A_102, %parallel_loop3A_101 : vector<16xf32>
      %parallel_loop3A_104 = arith.constant 1.875000e-01 : f32
      %parallel_loop3A_105 = vector.broadcast %parallel_loop3A_104 : f32 to vector<16xf32>
      %parallel_loop3A_106 = arith.mulf %parallel_loop3A_105, %parallel_loop3A_101 : vector<16xf32>
      %parallel_loop3A_107 = arith.constant 9.375000e-01 : f32
      %parallel_loop3A_108 = vector.broadcast %parallel_loop3A_107 : f32 to vector<16xf32>
      %parallel_loop3A_109 = arith.subf %parallel_loop3A_106, %parallel_loop3A_108 : vector<16xf32>
      %parallel_loop3A_110 = arith.mulf %parallel_loop3A_109, %parallel_loop3A_101 : vector<16xf32>
      %parallel_loop3A_111 = arith.constant 1.250000e+00 : f32
      %parallel_loop3A_112 = vector.broadcast %parallel_loop3A_111 : f32 to vector<16xf32>
      %parallel_loop3A_113 = arith.addf %parallel_loop3A_110, %parallel_loop3A_112 : vector<16xf32>
      %parallel_loop3A_114 = arith.mulf %parallel_loop3A_103, %parallel_loop3A_113 : vector<16xf32>
      %parallel_loop3A_115 = arith.mulf %parallel_loop3A_92, %parallel_loop3A_92 : vector<16xf32>
      %parallel_loop3A_116 = arith.constant 1.000000e+00 : f32
      %parallel_loop3A_117 = vector.broadcast %parallel_loop3A_116 : f32 to vector<16xf32>
      %parallel_loop3A_118 = arith.addf %parallel_loop3A_115, %parallel_loop3A_117 : vector<16xf32>
      %parallel_loop3A_119 = tpu.bitcast %parallel_loop3A_118 : vector<16xf32> -> vector<16xi32>
      %parallel_loop3A_120 = arith.constant 1 : i32
      %parallel_loop3A_121 = vector.broadcast %parallel_loop3A_120 : i32 to vector<16xi32>
      %parallel_loop3A_122 = arith.shrsi %parallel_loop3A_119, %parallel_loop3A_121 : vector<16xi32>
      %parallel_loop3A_123 = arith.constant 1597463007 : i32
      %parallel_loop3A_124 = vector.broadcast %parallel_loop3A_123 : i32 to vector<16xi32>
      %parallel_loop3A_125 = arith.subi %parallel_loop3A_124, %parallel_loop3A_122 : vector<16xi32>
      %parallel_loop3A_126 = tpu.bitcast %parallel_loop3A_125 : vector<16xi32> -> vector<16xf32>
      %parallel_loop3A_127 = arith.constant 5.000000e-01 : f32
      %parallel_loop3A_128 = vector.broadcast %parallel_loop3A_127 : f32 to vector<16xf32>
      %parallel_loop3A_129 = arith.mulf %parallel_loop3A_128, %parallel_loop3A_118 : vector<16xf32>
      %parallel_loop3A_130 = arith.mulf %parallel_loop3A_129, %parallel_loop3A_126 : vector<16xf32>
      %parallel_loop3A_131 = arith.mulf %parallel_loop3A_130, %parallel_loop3A_126 : vector<16xf32>
      %parallel_loop3A_132 = arith.constant 1.500000e+00 : f32
      %parallel_loop3A_133 = vector.broadcast %parallel_loop3A_132 : f32 to vector<16xf32>
      %parallel_loop3A_134 = arith.subf %parallel_loop3A_133, %parallel_loop3A_131 : vector<16xf32>
      %parallel_loop3A_135 = arith.mulf %parallel_loop3A_126, %parallel_loop3A_134 : vector<16xf32>
      %parallel_loop3A_136 = arith.constant 1.000000e+00 : f32
      %parallel_loop3A_137 = vector.broadcast %parallel_loop3A_136 : f32 to vector<16xf32>
      %parallel_loop3A_138 = arith.divf %parallel_loop3A_137, %parallel_loop3A_92 : vector<16xf32>
      %parallel_loop3A_139 = arith.subf %parallel_loop3A_138, %parallel_loop3A_135 : vector<16xf32>
      %parallel_loop3A_140 = arith.mulf %parallel_loop3A_114, %parallel_loop3A_139 : vector<16xf32>
      %parallel_loop3A_141 = arith.addf %parallel_loop3A_135, %parallel_loop3A_140 : vector<16xf32>
      %parallel_loop3A_142 = arith.constant 2.000000e-01 : f32
      %parallel_loop3A_143 = vector.broadcast %parallel_loop3A_142 : f32 to vector<16xf32>
      %parallel_loop3A_144 = arith.subf %parallel_loop3A_141, %parallel_loop3A_143 : vector<16xf32>
      %parallel_loop3A_145 = arith.constant 0.00999999977 : f32
      %parallel_loop3A_146 = vector.broadcast %parallel_loop3A_145 : f32 to vector<16xf32>
      %parallel_loop3A_147 = arith.mulf %parallel_loop3A_92, %parallel_loop3A_146 : vector<16xf32>
      %parallel_loop3A_148 = arith.addf %parallel_loop3A_144, %parallel_loop3A_147 : vector<16xf32>
      %parallel_loop3A_149 = arith.mulf %parallel_loop3A_95, %parallel_loop3A_98 : vector<16xf32>
      %parallel_loop3A_150 = arith.mulf %parallel_loop3A_149, %parallel_loop3A_148 : vector<16xf32>
      %parallel_loop3A_151 = arith.constant 1.000000e+01 : f32
      %parallel_loop3A_152 = vector.broadcast %parallel_loop3A_151 : f32 to vector<16xf32>
      %parallel_loop3A_153 = arith.cmpf ole, %parallel_loop3A_92, %parallel_loop3A_152 : vector<16xf32>
      %parallel_loop3A_154 = arith.constant 0.000000e+00 : f32
      %parallel_loop3A_155 = vector.broadcast %parallel_loop3A_154 : f32 to vector<16xf32>
      %parallel_loop3A_156 = arith.select %parallel_loop3A_153, %parallel_loop3A_150, %parallel_loop3A_155 : vector<16xi1>, vector<16xf32>
      %parallel_loop3A_157 = arith.index_cast %parallel_loop3A_90 : i32 to index
      %parallel_loop3A_158 = tpu.vector_load %arg11[%parallel_loop3A_157] {strides = array<i32>} : memref<7680xf32, #tpu.memory_space<vmem>>, vector<16xf32>,
      tpu.vector_store %arg11[%parallel_loop3A_157], %parallel_loop3A_156 {strides = array<i32>} : memref<7680xf32, #tpu.memory_space<vmem>>, vector<16xf32>,
    } {sc.loop_unroll_factor = 4 : i64, sc.parallel_access}
    "tpu.region"() ({
      %run_scoped3A = tpu.sem_alloc : memref<!tpu.dma_semaphore, #tpu.memory_space<semaphore_mem>>
      %dma_start3A_90 = arith.constant 0 : i32
      %dma_start3A_91 = tpu.memref_slice %arg11[%dma_start3A_90] : memref<7680xf32, #tpu.memory_space<vmem>> -> memref<320xf32, #tpu.memory_space<vmem>>
      %dma_start3A_92 = tpu.memref_slice %arg6[%add3A_87] : memref<6400000xf32, #tpu.memory_space<hbm>> -> memref<320xf32, #tpu.memory_space<hbm>>
      %dma_start3A_93 = tpu.memref_slice %arg6[%add3A_87] : memref<6400000xf32, #tpu.memory_space<hbm>> -> memref<320xf32, #tpu.memory_space<hbm>>
      %dma_start3A_94 = arith.constant 0 : i32
      %dma_start3A_95 = tpu.memref_slice %arg11[%dma_start3A_94] : memref<7680xf32, #tpu.memory_space<vmem>> -> memref<320xf32, #tpu.memory_space<vmem>>
      tpu.enqueue_dma source(%dma_start3A_95 : memref<320xf32, #tpu.memory_space<vmem>>) target(%dma_start3A_93 : memref<320xf32, #tpu.memory_space<hbm>>) target_semaphore(%run_scoped3A : memref<!tpu.dma_semaphore, #tpu.memory_space<semaphore_mem>>)
      %dma_wait3A_96 = arith.constant 0 : i32
      %dma_wait3A_97 = tpu.memref_slice %arg11[%dma_wait3A_96] : memref<7680xf32, #tpu.memory_space<vmem>> -> memref<320xf32, #tpu.memory_space<vmem>>
      %dma_wait3A_98 = tpu.memref_slice %arg6[%add3A_87] : memref<6400000xf32, #tpu.memory_space<hbm>> -> memref<320xf32, #tpu.memory_space<hbm>>
      %dma_wait3A_99 = tpu.memref_slice %arg6[%add3A_87] : memref<6400000xf32, #tpu.memory_space<hbm>> -> memref<320xf32, #tpu.memory_space<hbm>>
      %dma_wait3A_100 = arith.constant 0 : i32
      %dma_wait3A_101 = tpu.memref_slice %arg11[%dma_wait3A_100] : memref<7680xf32, #tpu.memory_space<vmem>> -> memref<320xf32, #tpu.memory_space<vmem>>
      tpu.wait_dma2 semaphore(%run_scoped3A : memref<!tpu.dma_semaphore, #tpu.memory_space<semaphore_mem>>) src(%dma_wait3A_101 : memref<320xf32, #tpu.memory_space<vmem>>) dst(%dma_wait3A_99 : memref<320xf32, #tpu.memory_space<hbm>>)
      tpu.yield
    }) : () -> ()
    return
  }
}

</mosaic_0001>

<sc_bundles>
// kernel: kernel.3.cloned.1.call-start
scs
__scs_entry_jumppad:
0x0: {  	(pc) =	sbr.rel $0x88, $3  }
0x1: {  	(tag) =	ssettag $0x0;
	lr =	simm.s32 $0x1  }
0x2: {  	[smem:$0x3F9D] =	sst lr;
	_ =	strace $0xD0000000  }
0x3: {  	_ = 	snop  }
0x4: {  	_ = 	snop  }
0x5: {  	_ = 	snop  }
0x6: {  	_ = 	snop  }
0x7: {  	_ = 	snop  }
__scs_overlays_trampoline_lowered:
0x8: {  	[smem:$0x3FAC] =	sst s0  }
0x9: {  	[smem:$0x3FAD] =	sst s1  }
0xa: {  	[smem:$0x3FAE] =	sst s2  }
0xb: {  	[smem:$0x3FAF] =	sst s3  }
0xc: {  	[smem:$0x3FB0] =	sst s4  }
0xd: {  	[smem:$0x3FB1] =	sst s5  }
0xe: {  	[smem:$0x3FB2] =	sst s6  }
0xf: {  	[smem:$0x3FB3] =	sst s7  }
0x10: {  	[smem:$0x3FB4] =	sst s8  }
0x11: {  	[smem:$0x3FB5] =	sst s9;
	s0 =	simm.s32 @!p0 $0x0  }
0x12: {  	s1 =	sld [smem:$0x3F9B];
	s0 =	simm.s32 @p0 $0x1  }
0x13: {  	[smem:$0x3FB6] =	sst s0;
	s0 =	simm.s32 @!p1 $0x0  }
0x14: {  	s2 =	sld [smem:$0x3F9A];
	s0 =	simm.s32 @p1 $0x1  }
0x15: {  	[smem:$0x3FB7] =	sst s0;
	s0 =	simm.s32 @!p2 $0x0  }
0x16: {  	s3 =	sld [smem:$0x3FDB];
	s0 =	simm.s32 @p2 $0x1  }
0x17: {  	s4 =	simm.s32 $0x1BF5;
	[smem:$0x3FB9] =	sst s0  }
0x18: {  	s0 =	sld [smem:$0x3F9C];
	_ =	swait.ge [sflag:s4], $0x0  }
0x19: {  	s7 =	sld [smem:$0x3F9D]  }
0x1a: {  	s8 =	sadd.s32 $0xFFFFE003, lr  }
0x1b: {  	s9 =	sadd.s32 $0xFFFFFEF7, lr;
	s5 =	simm.s32 $0xFFFFFFFF;
	p2 =	slt.u32 s8, $0xFFFFF086  }
0x1c: {  	p1 =	slt.u32 s9, $0xF7A;
	s5 =	simm.s32 @!p2 $0x0  }
0x1d: {  	s5 =	simm.s32 @p1 $0x1;
	p0 =	seq.s32 s7, s2  }
0x1e: {  	s7 =	smul.u32 @!p0 $0xF7A, s2;
	p2 =	seq.s32 @!p0 s5, $0x0  }
0x1f: {  	s9 =	smul.u32 $0xF7A, s1;
	s8 =	simm.s32 @!p0 $0x1BF5;
	p2 =	por !p2, p0  }
0x20: {  	[sflag:s8] =	ssyncset.s32 @!p0 $0xFFFFF086;
	s6 =	sadd.s32 @!p0 s3, s7;
	s7 =	simm.s32 @!p0 $0x108  }
0x21: {  	s3 =	sadd.s32 s3, s9;
	s6 =	sadd.s32 @!p0 $0x88, s6;
	s7 =	simm.s32 @p2 $0x1082  }
0x22: {  	[simem:s7], [sflag:s8] =	dma.local @!p0 [hbm:s6], $0xF7A  }
0x23: {  	s9 =	sor.u32 $0xD0000000, s2;
	s6 =	simm.s32 $0x108;
	_ =	swait.ge @!p0 [sflag:s8], $0x0  }
0x24: {  	s3 =	sadd.s32 $0x88, s3;
	s6 =	simm.s32 @!p1 $0x1082;
	[sflag:s4] =	ssyncset.s32 $0xFFFFF086  }
0x25: {  	[simem:s6], [sflag:s4] =	dma.local [hbm:s3], $0xF7A  }
0x26: {  	[smem:$0x3F9D] =	sst s1;
	(tag) =	ssettag s2;
	_ =	strace s9  }
0x27: {  	s1 =	sld [smem:$0x3FAD]  }
0x28: {  	s2 =	sld [smem:$0x3FAE]  }
0x29: {  	s4 =	sld [smem:$0x3FB0]  }
0x2a: {  	p0 =	seq.s32 s5, $0x0;
	s5 =	sld [smem:$0x3FB1]  }
0x2b: {  	s6 =	sld [smem:$0x3FB2]  }
0x2c: {  	s7 =	sld [smem:$0x3FB3]  }
0x2d: {  	s3 =	simm.s32 $0x108;
	s8 =	sld [smem:$0x3FB4]  }
0x2e: {  	s3 =	simm.s32 @!p0 $0x1082;
	s9 =	sld [smem:$0x3FB5]  }
0x2f: {  	lr =	sadd.s32 s0, s3;
	s0 =	sld [smem:$0x3FAC]  }
0x30: {  	s3 =	sld [smem:$0x3FAF]  }
0x31: {  	[smem:$0x3FB8] =	sst s10  }
0x32: {  	s10 =	sld [smem:$0x3FB6];
	_ =	sdelay $0x3  }
0x33: {  	p0 =	seq.s32 s10, $0x1;
	s10 =	sld [smem:$0x3FB8];
	_ =	sdelay $0x3  }
0x34: {  	[smem:$0x3FB8] =	sst s10  }
0x35: {  	s10 =	sld [smem:$0x3FB7];
	_ =	sdelay $0x3  }
0x36: {  	p1 =	seq.s32 s10, $0x1;
	s10 =	sld [smem:$0x3FB8];
	_ =	sdelay $0x3  }
0x37: {  	[smem:$0x3FB8] =	sst s10  }
0x38: {  	s10 =	sld [smem:$0x3FB9]  }
0x39: {  	_ = 	snop;
	(pc) =	sbr.ind lr, $3  }
0x3a: {  	_ = 	snop  }
0x3b: {  	_ = 	snop  }
0x3c: {  	p2 =	seq.s32 s10, $0x1;
	s10 =	sld [smem:$0x3FB8]  }
0x3d: {  	_ =	shalt  }
0x3e: {  	_ =	shalt  }
0x3f: {  	_ =	shalt  }
0x40: {  	_ =	shalt  }
0x41: {  	_ =	shalt  }
0x42: {  	_ =	shalt  }
0x43: {  	_ =	shalt  }
0x44: {  	_ =	shalt  }
0x45: {  	_ =	shalt  }
0x46: {  	_ =	shalt  }
0x47: {  	_ =	shalt  }
0x48: {  	_ =	shalt  }
0x49: {  	_ =	shalt  }
0x4a: {  	_ =	shalt  }
0x4b: {  	_ =	shalt  }
0x4c: {  	_ =	shalt  }
0x4d: {  	_ =	shalt  }
0x4e: {  	_ =	shalt  }
0x4f: {  	_ =	shalt  }
0x50: {  	_ =	shalt  }
0x51: {  	_ =	shalt  }
0x52: {  	_ =	shalt  }
0x53: {  	_ =	shalt  }
0x54: {  	_ =	shalt  }
0x55: {  	_ =	shalt  }
0x56: {  	_ =	shalt  }
0x57: {  	_ =	shalt  }
0x58: {  	_ =	shalt  }
0x59: {  	_ =	shalt  }
0x5a: {  	_ =	shalt  }
0x5b: {  	_ =	shalt  }
0x5c: {  	_ =	shalt  }
0x5d: {  	_ =	shalt  }
0x5e: {  	_ =	shalt  }
0x5f: {  	_ =	shalt  }
0x60: {  	_ =	shalt  }
0x61: {  	_ =	shalt  }
0x62: {  	_ =	shalt  }
0x63: {  	_ =	shalt  }
0x64: {  	_ =	shalt  }
0x65: {  	_ =	shalt  }
0x66: {  	_ =	shalt  }
0x67: {  	_ =	shalt  }
0x68: {  	_ =	shalt  }
0x69: {  	_ =	shalt  }
0x6a: {  	_ =	shalt  }
0x6b: {  	_ =	shalt  }
0x6c: {  	_ =	shalt  }
0x6d: {  	_ =	shalt  }
0x6e: {  	_ =	shalt  }
0x6f: {  	_ =	shalt  }
0x70: {  	_ =	shalt  }
0x71: {  	_ =	shalt  }
0x72: {  	_ =	shalt  }
0x73: {  	_ =	shalt  }
0x74: {  	_ =	shalt  }
0x75: {  	_ =	shalt  }
0x76: {  	_ =	shalt  }
0x77: {  	_ =	shalt  }
0x78: {  	_ =	shalt  }
0x79: {  	_ =	shalt  }
0x7a: {  	_ =	shalt  }
0x7b: {  	_ =	shalt  }
0x7c: {  	_ =	shalt  }
0x7d: {  	_ =	shalt  }
0x7e: {  	_ =	shalt  }
0x7f: {  	_ =	shalt  }
0x80: {  	_ =	shalt  }
0x81: {  	_ =	shalt  }
0x82: {  	_ =	shalt  }
0x83: {  	_ =	shalt  }
0x84: {  	_ =	shalt  }
0x85: {  	_ =	shalt  }
0x86: {  	_ =	shalt  }
0x87: {  	_ =	shalt  }
.Lfunc_end0:
.L_simem_size_0:
called_computation_lowered:
.L_overlay_start_0:
0x88: {  	s2 =	sld [smem:$0x3FD9]  }
0x89: {  	s3 =	sld [smem:$0x3FFE];
	_ =	sdelay $0x1  }
0x8a: {  	s1 =	srdreg.scid  }
0x8b: {  	s0 =	sand.u32 $0x1, s1  }
0x8c: {  	s17 =	sshll.u32 s0, $0xA;
	s2 =	sadd.s32 s3, s2  }
0x8d: {  	s2 =	sadd.s32 s2, s17  }
0x8e: {  	[smem:$0x3FC4] =	sst s2  }
0x8f: {  	_ = 	snop  }
0x90: {  	s2 =	sld [smem:$0x3FC9]  }
0x91: {  	s18 =	sld [smem:$0x3FC7]  }
0x92: {  	s4 =	sld [smem:$0x3FC6]  }
0x93: {  	s5 =	sld [smem:$0x3FD0];
	(tm) =	ssettm $0x1  }
0x94: {  	s6 =	sld [smem:$0x3FFB];
	_ =	sdelay $0x3  }
0x95: {  	_ =	strace s6  }
0x96: {  	s6 =	sld [smem:$0x3FFC];
	_ =	sdelay $0x3  }
0x97: {  	_ =	strace s6  }
0x98: {  	s6 =	sld [smem:$0x3FFD];
	_ =	sdelay $0x3  }
0x99: {  	_ =	strace s6  }
0x9a: {  	_ =	strace $0x8FFFFFFF  }
0x9b: {  	s19 =	sld [smem:$0x3FDB];
	_ =	sdelay $0x1  }
0x9c: {  	s7 =	simm.s32 $_scs_section_size  }
0x9d: {  	s8 =	simm.s32 $_size__tile_overlayer_lowered;
	s9 =	simm.s32 $_tile_overlayer_lowered  }
0x9e: {  	s22 =	simm.s32 $0x1BFF;
	s21 =	sshll.u32 s9, $0x1;
	s6 =	sadd.s32 s7, s19  }
0x9f: {  	s10 =	simm.s32 $0x0;
	s20 =	sshll.u32 s8, $0x1;
	s8 =	sadd.s32 s21, s6  }
0xa0: {  	[timem:s10], [sflag:s22] =	dma.local [hbm:s8], s20  }
0xa1: {  	_ =	swait.ge [sflag:s22], s20  }
0xa2: {  	s7 =	ssub.s32 $0x0, s20;
	[sflag:s22] =	ssyncset.done $0x0  }
0xa3: {  	[sflag:s22] =	ssyncadd.s32 s7;
	_ =	sdelay $0x1  }
0xa4: {  	s23 =	simm.s32 $0x1B8B  }
0xa5: {  	_ =	swait.ge [sflag:s23], $0x1  }
0xa6: {  	[sflag:s23] =	ssyncset.done $0x0  }
0xa7: {  	s25 =	simm.s32 $0x1B8E;
	s24 =	sld [smem:$0x3FFE];
	[sflag:s23] =	ssyncadd.s32 $0xFFFFFFFF  }
0xa8: {  	s26 =	simm.s32 $execute0_lowered;
	[smem:$0x3FD2] =	sst s25  }
0xa9: {  	s8 =	sshll.u32 s26, $0x1;
	_ =	strace $0x80000046;
	[dreg:$0x1] =	wrdreg $0xFFFFFFFF  }
0xaa: {  	s28 =	simm.s32 $_size_execute0_lowered;
	s6 =	sadd.s32 s6, s8;
	[dreg:$0x0] =	wrdreg $0x0  }
0xab: {  	s8 =	sshll.u32 s28, $0x1;
	[dreg:$0x2] =	wrdreg s6  }
0xac: {  	[dreg:$0x3] =	wrdreg s8  }
0xad: {  	[dreg:$0x4] =	wrdreg $0xC0  }
0xae: {  	_ =	task [dreg:s10], $0x5FFFF  }
0xaf: {  	[dreg:$0x1] =	wrdreg $0xFFFFFFFF  }
0xb0: {  	[dreg:$0x0] =	wrdreg $0x60  }
0xb1: {  	[dreg:$0x2] =	wrdreg s2  }
0xb2: {  	[dreg:$0x3] =	wrdreg s24  }
0xb3: {  	[dreg:$0x4] =	wrdreg s18  }
0xb4: {  	[dreg:$0x5] =	wrdreg s4  }
0xb5: {  	[dreg:$0x6] =	wrdreg s5  }
0xb6: {  	[dreg:$0x7] =	wrdreg $0x9  }
0xb7: {  	_ =	task.clear_ibuf [dreg:s10], $0x8FFFF;
	_ =	strace $0x90000046  }
0xb8: {  	s29 =	simm.s32 $0x9;
	_ =	strace $0x80000048  }
0xb9: {  	_ =	swait.ge [sflag:s29], $0x1  }
0xba: {  	[sflag:s29] =	ssyncadd.s32 $0xFFFFFFFF  }
0xbb: {  	_ =	strace $0x90000048  }
0xbc: {  	_ =	sfence  }
0xbd: {  	s30 =	sld [smem:$0x0];
	_ =	sdelay $0x2  }
0xbe: {  	s31 =	sshll.u32 s1, $0xD;
	s1 =	sshrl.u32 s1, $0x2  }
0xbf: {  	s3 =	sand.u32 $0x4000, s31;
	s1 =	sadd.s32 s1, s30  }
0xc0: {  	s0 =	sor.u32 s3, s0;
	s1 =	sshll.u32 s1, $0x11  }
0xc1: {  	s0 =	sor.u32 s1, s0  }
0xc2: {  	s0 =	sadd.s32 $0x8F2B, s0  }
0xc3: {  	[sflag:s0] =	ssyncadd.remote.s32 $0x1  }
0xc4: {  	_ =	sfence.sel $0xFFFF  }
0xc5: {  	[dreg:$0x0] =	wrdreg $0xFFFFFFFF;
	(pc) =	sbr.abs _section_cstart, $3  }
0xc6: {  	[dreg:$0x1] =	wrdreg $0xFFFFFFFF  }
0xc7: {  	_ =	task.clear_ibuf [dreg:s10], $0x2FFFF;
	_ =	strace $0x9FFFFFFF  }
0xc8: {  	(tm) =	ssettm $0x7FFFFFFF  }
0xc9: {  	_ =	shalt  }
tec
execute0_lowered:
.L_overlay_start_1:
0x0: {  	(tag) =	ssettag $0x1  }
0x1: {  	s0 =	rddreg [dreg:$0x0]  }
0x2: {  	s1 =	rddreg [dreg:$0x1]  }
0x3: {  	s2 =	rddreg [dreg:$0x2]  }
0x4: {  	s4 =	rddreg [dreg:$0x3];
	s3 =	srdreg.scid  }
0x5: {  	s6 =	stileid.u32;
	s5 =	rddreg [dreg:$0x4];
	s28 =	simm.s32 $0x1  }
0x6: {  	s29 =	simm.s32 $0x4;
	s30 =	simm.s32 $0x5;
	s31 =	simm.s32 $0x6  }
0x7: {  	s3 =	sand.u32 $0x1, s3;
	s7 =	sshll.u32 s6, $0x1;
	s6 =	simm.s32 $0x0  }
0x8: {  	s1 =	sadd.s32 $0x400, s1;
	s7 =	sor.u32 s3, s7;
	s3 =	ssub.s32 $0x2, s3  }
0x9: {  	[smem:$0x7FF] =	sst s6;
	s7 =	smul.u32 $0x30D40, s7;
	s23 =	sshrl.u32 s3, $0x1  }
0xa: {  	_ =	strace $0x80000047;
	[dreg:$0x6] =	wrdreg s1;
	s1 =	ssub.s32 s3, s23  }
0xb: {  	s23 =	simm.s32 $0x18700;
	s8 =	sshrl.u32 s7, $0x3;
	s15 =	sadd.s32 $0x1E00, s7  }
0xc: {  	s20 =	smax.u32 s1, $0x1;
	s1 =	simm.s32 $0x0;
	s24 =	sadd.s32 s0, s8  }
0xd: {  	s25 =	sadd.s32 $0x1E0, s8;
	s9 =	sadd.s32 s2, s8;
	[dreg:$0x7] =	wrdreg s24  }
0xe: {  	s11 =	sadd.s32 s4, s8;
	s26 =	sadd.s32 $0x6180, s8;
	[dreg:$0x8] =	wrdreg s9  }
0xf: {  	s12 =	sadd.s32 s0, s25;
	s13 =	sadd.s32 s2, s25;
	s14 =	sadd.s32 s4, s25  }
0x10: {  	s16 =	sadd.s32 s0, s26;
	s17 =	sadd.s32 s2, s26;
	s18 =	sadd.s32 s4, s26  }
0x11: {  	s19 =	sadd.s32 s5, s26;
	s24 =	simm.s32 $0x1A500;
	s25 =	simm.s32 $0x1C300  }
.LBB2_1:
0x12: {  	s3 =	rddreg [dreg:$0x6]  }
0x13: {  	[tilespmem:s6], [sflag:$0x1] =	stream.linear.gather [hbm4b:s3+s6], $0x18700, $0x38;
	[tilespmem:$0x1FF00] =	vst v63  }
0x14: {  	s22 =	rddreg [dreg:$0x7]  }
0x15: {  	[tilespmem:s23], [sflag:$0x2] =	stream.linear.gather [hbm4b:s22+s6], $0xF00, $0x38;
	[tilespmem:$0x1FF00] =	vst v63  }
0x16: {  	s23 =	rddreg [dreg:$0x8]  }
0x17: {  	[tilespmem:s24], [sflag:$0x2] =	stream.linear.gather [hbm4b:s23+s6], $0xF00, $0x38;
	[tilespmem:$0x1FF00] =	vst v63  }
0x18: {  	_ = 	snop  }
0x19: {  	[tilespmem:s25], [sflag:$0x2] =	stream.linear.gather [hbm4b:s11+s6], $0xF00, $0x38;
	[tilespmem:$0x1FF00] =	vst v63  }
0x1a: {  	s24 =	simm.s32 $0x19600  }
0x1b: {  	[tilespmem:s24], [sflag:$0x3] =	stream.linear.gather [hbm4b:s12+s6], $0xF00, $0x38;
	[tilespmem:$0x1FF00] =	vst v63  }
0x1c: {  	s25 =	simm.s32 $0x1B400  }
0x1d: {  	[tilespmem:s25], [sflag:$0x3] =	stream.linear.gather [hbm4b:s13+s6], $0xF00, $0x38;
	[tilespmem:$0x1FF00] =	vst v63  }
0x1e: {  	s26 =	simm.s32 $0x1D200  }
0x1f: {  	[tilespmem:s26], [sflag:$0x3] =	stream.linear.gather [hbm4b:s14+s6], $0xF00, $0x38;
	[tilespmem:$0x1FF00] =	vst v63  }
0x20: {  	_ =	swait.ge [sflag:s28], $0x18700  }
0x21: {  	[sflag:s28] =	ssyncset.done $0x0  }
0x22: {  	p0 =	por $0x0, $0x0;
	s24 =	simm.s32 $0x0;
	[sflag:s28] =	ssyncadd.s32 $0xFFFE7900  }
.LBB2_2:
0x23: {  	s26 =	sand.u32 $0x1, s24;
	p1 =	slt.u32 s24, $0x2  }
0x24: {  	s3 =	sor.u32 @!p1 $0x4, s26  }
0x25: {  	_ =	swait.ge @!p1 [sflag:s3], $0xF00  }
0x26: {  	[sflag:s3] =	ssyncset.done @!p1 $0x0  }
0x27: {  	s25 =	sor.u32 $0x2, s26;
	[sflag:s3] =	ssyncadd.s32 @!p1 $0xFFFFF100  }
0x28: {  	_ =	swait.ge [sflag:s25], $0xF00  }
0x29: {  	[sflag:s25] =	ssyncset.done $0x0  }
0x2a: {  	[sflag:s25] =	ssyncadd.s32 $0xFFFFF100  }
0x2b: {  	s3 =	simm.s32 $0x1;
	_ =	swait.ge [sflag:s25], $0xF00  }
0x2c: {  	s3 =	simm.s32 @!p0 $0x0;
	[sflag:s25] =	ssyncset.done $0x0  }
0x2d: {  	s3 =	smul.u32 $0x3C00, s3;
	[sflag:s25] =	ssyncadd.s32 $0xFFFFF100  }
0x2e: {  	_ =	swait.ge [sflag:s25], $0xF00  }
0x2f: {  	s22 =	sshrl.u32 s3, $0x2;
	[sflag:s25] =	ssyncset.done $0x0  }
0x30: {  	s9 =	sadd.s32 $0x18740, s22;
	[sflag:s25] =	ssyncadd.s32 $0xFFFFF100  }
0x31: {  	v12 =	vld [tilespmem:s9+$0x30]  }
0x32: {  	v1 =	vld [tilespmem:s9+$0xFFFFFFD0]  }
0x33: {  	v0 =	vld [tilespmem:s9+$0xFFFFFFE0]  }
0x34: {  	v4 =	vld [tilespmem:s9+$0xFFFFFFF0]  }
0x35: {  	v3 =	vld [tilespmem:s9+$0x0]  }
0x36: {  	v7 =	vld [tilespmem:s9+$0xFFFFFFC0]  }
0x37: {  	v6 =	vld [tilespmem:s9+$0x20]  }
0x38: {  	v5 =	vld [tilespmem:s9+$0x10]  }
0x39: {  	v2 =	vmul.f32 v12, v12;
	v9 =	vmul.f32 v1, v1  }
0x3a: {  	(erf) = vrcp.f32 v1;
	v10 =	vmul.f32 v0, v0  }
0x3b: {  	v8 =	vmin.f32 v1, $2.000000000e+00;
	v11 =	vmul.f32 v4, v4;
	v14 =	vmul.f32 v3, v3  }
0x3c: {  	v15 =	vmin.f32 v12, $2.000000000e+00;
	v20 =	vmul.f32 v6, v6;
	v30 =	vmin.f32 v7, $2.000000000e+00  }
0x3d: {  	v31 =	vmin.f32 v5, $2.000000000e+00;
	v32 =	vmin.f32 v6, $2.000000000e+00;
	vm1 =	vle.f32 v12, $1.000000000e+01  }
0x3e: {  	vm2 =	vle.f32 v7, $1.000000000e+01;
	vm0 =	vle.f32 v1, $1.000000000e+01;
	v1 =	vmul.f32 $9.999999770e-03, v1  }
0x3f: {  	vm7 =	vle.f32 v0, $1.000000000e+01;
	(erf) = vrcp.f32 v0;
	v33 =	vmul.f32 $1.875000000e-01, v8  }
0x40: {  	vm12 =	vle.f32 v4, $1.000000000e+01;
	v37 =	vmul.f32 $1.875000000e-01, v31;
	v38 =	vmul.f32 $1.875000000e-01, v32  }
0x41: {  	s3 =	sadd.s32 $0x1A540, s22;
	vm13 =	vle.f32 v3, $1.000000000e+01;
	v43 =	vmul.f32 v30, v30;
	v45 =	vmul.f32 v8, v8  }
0x42: {  	s8 =	sadd.s32 $0x1C340, s22;
	v19 =	vld [tilespmem:s3+$0x30];
	vm10 =	vle.f32 v5, $1.000000000e+01;
	v57 =	vmul.f32 v31, v31;
	v59 =	vmul.f32 v32, v32  }
0x43: {  	v21 =	vld [tilespmem:s8+$0x30];
	v2 =	vadd.f32 $1.000000000e+00, v2;
	(erf) = vrcp.f32 v4;
	v16 =	vadd.f32 $1.000000000e+00, v9  }
0x44: {  	v9 =	vmul.f32 $1.875000000e-01, v15;
	v17 =	vadd.f32 $1.000000000e+00, v10;
	v10 =	vmul.f32 v7, v7  }
0x45: {  	v18 =	vadd.f32 $1.000000000e+00, v11;
	v11 =	vmul.f32 v5, v5;
	v14 =	vadd.f32 $1.000000000e+00, v14  }
0x46: {  	(erf) = vrcp.f32 v12;
	v33 =	vadd.f32 $-9.375000000e-01, v33;
	v37 =	vadd.f32 $-9.375000000e-01, v37  }
0x47: {  	v38 =	vadd.f32 $-9.375000000e-01, v38;
	v13 =	vshra.s32 v2, $0x1;
	v2 =	vmul.f32 $5.000000000e-01, v2  }
0x48: {  	v22 =	vadd.f32 $1.000000000e+00, v10;
	v23 =	vshra.s32 v16, $0x1;
	v10 =	vmul.f32 v15, v15  }
0x49: {  	v16 =	vmul.f32 $5.000000000e-01, v16;
	v27 =	vshra.s32 v17, $0x1;
	v17 =	vmul.f32 $5.000000000e-01, v17  }
0x4a: {  	v19 =	vld.idx.msk [tilespmem:v19+s6+$0x0], $0xffff;
	v28 =	vshra.s32 v14, $0x1;
	v14 =	vmul.f32 $5.000000000e-01, v14;
	v33 =	vmul.f32 v33, v8  }
0x4b: {  	v21 =	vld.idx.msk [tilespmem:v21+s6+$0x0], $0xffff;
	v9 =	vadd.f32 $-9.375000000e-01, v9;
	v37 =	vmul.f32 v37, v31;
	v38 =	vmul.f32 v38, v32  }
0x4c: {  	v13 =	vsub.s32 $0x5F3759DF, v13;
	v8 =	vmul.f32 v45, v8;
	v31 =	vmul.f32 v57, v31  }
0x4d: {  	v26 =	vadd.f32 $1.000000000e+00, v11;
	v32 =	vmul.f32 v59, v32;
	v2 =	vmul.f32 v13, v2  }
0x4e: {  	v24 =	vmul.f32 v9, v15;
	v25 =	vshra.s32 v22, $0x1;
	v15 =	vmul.f32 v10, v15  }
0x4f: {  	v33 =	vadd.f32 $1.250000000e+00, v33;
	v37 =	vadd.f32 $1.250000000e+00, v37;
	v2 =	vmul.f32 v13, v2  }
0x50: {  	v38 =	vadd.f32 $1.250000000e+00, v38;
	v24 =	vadd.f32 $1.250000000e+00, v24;
	v19 =	vmul.f32 v21, v19  }
0x51: {  	v9 =	vpop (erf);
	v8 =	vmul.f32 v33, v8;
	v31 =	vmul.f32 v37, v31;
	v2 =	vsub.f32 $1.500000000e+00, v2  }
0x52: {  	v32 =	vmul.f32 v38, v32;
	v11 =	vpop (erf);
	v15 =	vmul.f32 v24, v15;
	v24 =	vshra.s32 v18, $0x1  }
0x53: {  	v18 =	vmul.f32 $5.000000000e-01, v18;
	v10 =	vpop (erf);
	v24 =	vsub.s32 $0x5F3759DF, v24;
	v2 =	vmul.f32 v13, v2  }
0x54: {  	v13 =	vadd.f32 $1.000000000e+00, v20;
	v20 =	vmul.f32 $5.000000000e-01, v22;
	v22 =	vpop (erf);
	(erf) = vrcp.f32 v7  }
0x55: {  	v25 =	vsub.s32 $0x5F3759DF, v25;
	v18 =	vmul.f32 v24, v18;
	(erf) = vrcp.f32 v3  }
0x56: {  	v29 =	vshra.s32 v13, $0x1;
	v13 =	vmul.f32 $5.000000000e-01, v13;
	(erf) = vrcp.f32 v5  }
0x57: {  	v22 =	vsub.f32 v22, v2;
	v20 =	vmul.f32 v25, v20;
	v18 =	vmul.f32 v24, v18  }
0x58: {  	v21 =	vsub.s32 $0x5F3759DF, v29;
	v29 =	vmin.f32 v4, $2.000000000e+00;
	(erf) = vrcp.f32 v6  }
0x59: {  	v15 =	vmul.f32 v22, v15;
	v22 =	vshra.s32 v26, $0x1;
	v26 =	vmul.f32 $5.000000000e-01, v26  }
0x5a: {  	vm11 =	vle.f32 v6, $1.000000000e+01;
	v13 =	vmul.f32 v21, v13;
	v35 =	vmul.f32 $1.875000000e-01, v29  }
0x5b: {  	v20 =	vmul.f32 v25, v20;
	v18 =	vsub.f32 $1.500000000e+00, v18;
	v22 =	vsub.s32 $0x5F3759DF, v22  }
0x5c: {  	v2 =	vadd.f32 v15, v2;
	v15 =	vsub.s32 $0x5F3759DF, v23;
	v23 =	vsub.s32 $0x5F3759DF, v27  }
0x5d: {  	v39 =	vld [tilespmem:s3+$0xFFFFFFC0];
	v27 =	vsub.s32 $0x5F3759DF, v28;
	v28 =	vmul.f32 $9.999999770e-03, v12;
	v26 =	vmul.f32 v22, v26  }
0x5e: {  	v40 =	vld [tilespmem:s8+$0xFFFFFFC0];
	v12 =	vmul.f32 $1.875000000e-01, v30;
	v35 =	vadd.f32 $-9.375000000e-01, v35;
	v13 =	vmul.f32 v21, v13  }
0x5f: {  	v42 =	vld [tilespmem:s8+$0xFFFFFFD0];
	v20 =	vsub.f32 $1.500000000e+00, v20;
	v18 =	vmul.f32 v24, v18;
	v16 =	vmul.f32 v15, v16  }
0x60: {  	v41 =	vld [tilespmem:s3+$0xFFFFFFD0];
	v17 =	vmul.f32 v23, v17;
	v14 =	vmul.f32 v27, v14;
	v2 =	vadd.f32 $-2.000000030e-01, v2  }
0x61: {  	v44 =	vld [tilespmem:s3+$0xFFFFFFE0];
	v12 =	vadd.f32 $-9.375000000e-01, v12;
	v26 =	vmul.f32 v22, v26;
	v35 =	vmul.f32 v35, v29  }
0x62: {  	v47 =	vld [tilespmem:s8+$0xFFFFFFE0];
	v20 =	vmul.f32 v25, v20;
	v13 =	vsub.f32 $1.500000000e+00, v13;
	v16 =	vmul.f32 v15, v16  }
0x63: {  	s21 =	sadd.s32 $0x80, s8;
	v58 =	vld [tilespmem:s8+$0x10];
	v10 =	vsub.f32 v10, v18;
	v17 =	vmul.f32 v23, v17;
	v14 =	vmul.f32 v27, v14  }
0x64: {  	v49 =	vld [tilespmem:s21+$0x30];
	v2 =	vadd.f32 v2, v28;
	v28 =	vmin.f32 v0, $2.000000000e+00;
	v12 =	vmul.f32 v12, v30  }
0x65: {  	v39 =	vld.idx.msk [tilespmem:v39+s6+$0x0], $0xffff;
	v60 =	vpop (erf);
	v25 =	vsub.f32 $1.500000000e+00, v26;
	v26 =	vmul.f32 v29, v29;
	v13 =	vmul.f32 v21, v13  }
0x66: {  	v40 =	vld.idx.msk [tilespmem:v40+s6+$0x0], $0xffff;
	v21 =	vmul.f32 v43, v30;
	v35 =	vadd.f32 $1.250000000e+00, v35;
	v43 =	vsub.f32 v60, v20  }
0x67: {  	v62 =	vld.idx.msk [tilespmem:v42+s6+$0x0], $0xffff;
	v34 =	vmul.f32 $1.875000000e-01, v28;
	v16 =	vsub.f32 $1.500000000e+00, v16;
	v17 =	vsub.f32 $1.500000000e+00, v17  }
0x68: {  	v24 =	vld [tilespmem:s3+$0x0];
	v46 =	vmul.f32 v28, v28;
	v14 =	vsub.f32 $1.500000000e+00, v14;
	v2 =	vmul.f32 v2, v19  }
0x69: {  	v30 =	vld [tilespmem:s3+$0x10];
	v61 =	vpop (erf);
	v19 =	vmin.f32 v3, $2.000000000e+00;
	v22 =	vmul.f32 v22, v25;
	v26 =	vmul.f32 v26, v29  }
0x6a: {  	v63 =	vpop (erf);
	v12 =	vadd.f32 $1.250000000e+00, v12;
	v25 =	vld [tilespmem:s8+$0x0];
	v36 =	vmul.f32 $1.875000000e-01, v19;
	v15 =	vmul.f32 v15, v16  }
0x6b: {  	v29 =	vld [tilespmem:s3+$0x20];
	v42 =	vpop (erf);
	v34 =	vadd.f32 $-9.375000000e-01, v34;
	v17 =	vmul.f32 v23, v17;
	v14 =	vmul.f32 v27, v14  }
0x6c: {  	v16 =	vld [tilespmem:s3+$0xFFFFFFF0];
	v27 =	vmul.f32 v19, v19;
	v37 =	vsub.f32 v42, v13;
	v12 =	vmul.f32 v12, v21  }
0x6d: {  	v23 =	vld [tilespmem:s8+$0xFFFFFFF0];
	v26 =	vmul.f32 v35, v26;
	v35 =	vsub.f32 v63, v22;
	v36 =	vadd.f32 $-9.375000000e-01, v36  }
0x6e: {  	v21 =	vld.idx.msk [tilespmem:v41+s6+$0x0], $0xffff;
	v34 =	vmul.f32 v34, v28;
	v28 =	vmul.f32 v46, v28;
	v9 =	vsub.f32 v9, v15  }
0x6f: {  	v41 =	vld.idx.msk [tilespmem:v44+s6+$0x0], $0xffff;
	v11 =	vsub.f32 v11, v17;
	v12 =	vmul.f32 v43, v12;
	v36 =	vmul.f32 v36, v19  }
0x70: {  	v44 =	vld.idx.msk [tilespmem:v47+s6+$0x0], $0xffff;
	v34 =	vadd.f32 $1.250000000e+00, v34;
	v19 =	vmul.f32 v27, v19;
	v8 =	vmul.f32 v9, v8  }
0x71: {  	s3 =	sadd.s32 $0x80, s3;
	v27 =	vld [tilespmem:s8+$0x20];
	v12 =	vadd.f32 v12, v20;
	v20 =	vmul.f32 v37, v32;
	v36 =	vadd.f32 $1.250000000e+00, v36  }
0x72: {  	s10 =	sadd.s32 $0x80, s9;
	v28 =	vmul.f32 v34, v28;
	v8 =	vadd.f32 v8, v15;
	v15 =	vmul.f32 v35, v31;
	v31 =	vld [tilespmem:s3+$0x30]  }
0x73: {  	v7 =	vmul.f32 $9.999999770e-03, v7;
	v10 =	vmul.f32 v10, v26;
	v13 =	vadd.f32 v20, v13;
	v20 =	vld [tilespmem:s10+$0x30]  }
0x74: {  	v33 =	vsub.f32 v61, v14;
	v19 =	vmul.f32 v36, v19;
	v9 =	vmul.f32 v11, v28;
	v11 =	vld.idx.msk [tilespmem:v16+s6+$0x0], $0xffff  }
0x75: {  	v2 =	vnsel vm1, $0x0, v2;
	v10 =	vadd.f32 v10, v18;
	v15 =	vadd.f32 v15, v22;
	v22 =	vld.idx.msk [tilespmem:v58+s6+$0x0], $0xffff  }
0x76: {  	v26 =	vmul.f32 $9.999999770e-03, v3;
	v12 =	vadd.f32 $-2.000000030e-01, v12;
	v16 =	vmul.f32 v33, v19;
	v19 =	vld.idx.msk [tilespmem:v23+s6+$0x0], $0xffff  }
0x77: {  	v18 =	vmul.f32 $9.999999770e-03, v0;
	v10 =	vadd.f32 $-2.000000030e-01, v10;
	v8 =	vadd.f32 $-2.000000030e-01, v8;
	v23 =	vld.idx.msk [tilespmem:v24+s6+$0x0], $0xffff  }
0x78: {  	v28 =	vmul.f32 $9.999999770e-03, v5;
	v7 =	vadd.f32 v12, v7;
	v9 =	vadd.f32 v9, v17;
	v17 =	vld.idx.msk [tilespmem:v25+s6+$0x0], $0xffff  }
0x79: {  	v12 =	vmul.f32 v40, v39;
	v24 =	vmul.f32 $9.999999770e-03, v4;
	v25 =	vld.idx.msk [tilespmem:v29+s6+$0x0], $0xffff;
	v29 =	vadd.f32 $-2.000000030e-01, v13  }
0x7a: {  	v1 =	vadd.f32 v8, v1;
	v8 =	vmul.f32 v62, v21;
	v14 =	vadd.f32 v16, v14;
	v16 =	vld.idx.msk [tilespmem:v30+s6+$0x0], $0xffff  }
0x7b: {  	v21 =	vmul.f32 v44, v41;
	v13 =	vmul.f32 v7, v12;
	v9 =	vadd.f32 $-2.000000030e-01, v9;
	v27 =	vld.idx.msk [tilespmem:v27+s6+$0x0], $0xffff  }
0x7c: {  	v35 =	vld.idx.msk [tilespmem:v49+s6+$0x0], $0xffff;
	v15 =	vadd.f32 $-2.000000030e-01, v15;
	v30 =	vmul.f32 $9.999999770e-03, v6;
	v62 =	vmul.f32 $9.999999770e-03, v20  }
0x7d: {  	v12 =	vld [tilespmem:s10+$0xFFFFFFF0];
	v14 =	vadd.f32 $-2.000000030e-01, v14;
	v9 =	vadd.f32 v9, v18;
	v11 =	vmul.f32 v19, v11  }
0x7e: {  	v31 =	vld.idx.msk [tilespmem:v31+s6+$0x0], $0xffff;
	v18 =	vmul.f32 v17, v23;
	v19 =	vadd.f32 v10, v24;
	v10 =	vmul.f32 v1, v8  }
0x7f: {  	v17 =	vld [tilespmem:s10+$0xFFFFFFD0];
	v7 =	vadd.f32 v14, v26;
	v9 =	vmul.f32 v9, v21;
	v22 =	vmul.f32 v22, v16  }
0x80: {  	v1 =	vadd.f32 v15, v28;
	v15 =	vld [tilespmem:s10+$0x10];
	v23 =	vmul.f32 v27, v25;
	v8 =	vmul.f32 v19, v11  }
0x81: {  	v14 =	vld [tilespmem:s10+$0x0];
	v11 =	vadd.f32 v29, v30;
	v25 =	vmin.f32 v20, $2.000000000e+00;
	v7 =	vmul.f32 v7, v18  }
0x82: {  	vm14 =	vle.f32 v20, $1.000000000e+01;
	v16 =	vld [tilespmem:s10+$0xFFFFFFE0];
	v18 =	vmul.f32 v20, v20;
	v50 =	vmul.f32 v25, v25  }
0x83: {  	v13 =	vnsel vm2, $0x0, v13;
	v0 =	vmul.f32 v1, v22;
	v48 =	vmul.f32 v11, v23  }
0x84: {  	vm6 =	vle.f32 v12, $1.000000000e+01;
	v31 =	vmul.f32 v35, v31;
	(erf) = vrcp.f32 v17  }
0x85: {  	v19 =	vadd.f32 $1.000000000e+00, v18;
	v24 =	vmin.f32 v17, $2.000000000e+00;
	v21 =	vmul.f32 v17, v17  }
0x86: {  	v46 =	vmul.f32 v15, v15;
	vm4 =	vle.f32 v17, $1.000000000e+01;
	v17 =	vmul.f32 $9.999999770e-03, v17  }
0x87: {  	v11 =	vld [tilespmem:s10+$0x20];
	v28 =	vmul.f32 v14, v14;
	(erf) = vrcp.f32 v16;
	v22 =	vshra.s32 v19, $0x1  }
0x88: {  	v19 =	vmul.f32 $5.000000000e-01, v19;
	v23 =	vmul.f32 v16, v16;
	v27 =	vadd.f32 $1.000000000e+00, v21  }
0x89: {  	v18 =	vld [tilespmem:s10+$0xFFFFFFC0];
	v21 =	vmul.f32 $1.875000000e-01, v25;
	v33 =	vadd.f32 $1.000000000e+00, v46;
	(erf) = vrcp.f32 v12  }
0x8a: {  	v26 =	vsub.s32 $0x5F3759DF, v22;
	v22 =	vmul.f32 v12, v12;
	v28 =	vadd.f32 $1.000000000e+00, v28  }
0x8b: {  	(erf) = vrcp.f32 v20;
	v19 =	vmul.f32 v26, v19;
	v29 =	vadd.f32 $1.000000000e+00, v23  }
0x8c: {  	v21 =	vadd.f32 $-9.375000000e-01, v21;
	v47 =	vmul.f32 v11, v11;
	v51 =	vshra.s32 v27, $0x1  }
0x8d: {  	v27 =	vmul.f32 $5.000000000e-01, v27;
	v58 =	vshra.s32 v33, $0x1;
	v33 =	vmul.f32 $5.000000000e-01, v33  }
0x8e: {  	v30 =	vmul.f32 v18, v18;
	v45 =	vadd.f32 $1.000000000e+00, v22;
	v57 =	vshra.s32 v28, $0x1  }
0x8f: {  	v28 =	vmul.f32 $5.000000000e-01, v28;
	v60 =	vsub.s32 $0x5F3759DF, v51;
	v63 =	vsub.s32 $0x5F3759DF, v58  }
0x90: {  	v51 =	vmin.f32 v12, $2.000000000e+00;
	v12 =	vmul.f32 $9.999999770e-03, v12;
	v19 =	vmul.f32 v26, v19  }
0x91: {  	v49 =	vmin.f32 v18, $2.000000000e+00;
	v21 =	vmul.f32 v21, v25;
	v25 =	vmul.f32 v50, v25  }
0x92: {  	v34 =	vadd.f32 $1.000000000e+00, v47;
	v55 =	vshra.s32 v29, $0x1;
	v29 =	vmul.f32 $5.000000000e-01, v29  }
0x93: {  	v36 =	vsub.s32 $0x5F3759DF, v57;
	v27 =	vmul.f32 v60, v27;
	v33 =	vmul.f32 v63, v33  }
0x94: {  	v30 =	vadd.f32 $1.000000000e+00, v30;
	v56 =	vshra.s32 v45, $0x1;
	v32 =	vmul.f32 $5.000000000e-01, v45  }
0x95: {  	v61 =	vsub.s32 $0x5F3759DF, v55;
	v28 =	vmul.f32 v36, v28;
	v45 =	vmin.f32 v11, $2.000000000e+00  }
0x96: {  	v55 =	vmul.f32 $1.875000000e-01, v24;
	v19 =	vsub.f32 $1.500000000e+00, v19;
	v52 =	vadd.f32 $1.250000000e+00, v21  }
0x97: {  	v59 =	vshra.s32 v34, $0x1;
	v39 =	vsub.s32 $0x5F3759DF, v56;
	v29 =	vmul.f32 v61, v29  }
0x98: {  	v27 =	vmul.f32 v60, v27;
	v33 =	vmul.f32 v63, v33;
	v50 =	vsub.s32 $0x5F3759DF, v59  }
0x99: {  	v32 =	vmul.f32 v39, v32;
	v46 =	vadd.f32 $-9.375000000e-01, v55;
	v59 =	vmul.f32 $1.875000000e-01, v45  }
0x9a: {  	v28 =	vmul.f32 v36, v28;
	v19 =	vmul.f32 v26, v19;
	v26 =	vshra.s32 v30, $0x1  }
0x9b: {  	v30 =	vmul.f32 $5.000000000e-01, v30;
	v25 =	vmul.f32 v52, v25;
	v52 =	vmin.f32 v14, $2.000000000e+00  }
0x9c: {  	v23 =	vpop (erf);
	v29 =	vmul.f32 v61, v29;
	v27 =	vsub.f32 $1.500000000e+00, v27;
	v32 =	vmul.f32 v39, v32  }
0x9d: {  	v22 =	vpop (erf);
	v26 =	vsub.s32 $0x5F3759DF, v26;
	v57 =	vmul.f32 $1.875000000e-01, v52;
	v46 =	vmul.f32 v46, v24  }
0x9e: {  	v33 =	vsub.f32 $1.500000000e+00, v33;
	v21 =	vpop (erf);
	v30 =	vmul.f32 v26, v30;
	v27 =	vmul.f32 v60, v27  }
0x9f: {  	v29 =	vsub.f32 $1.500000000e+00, v29;
	v60 =	vmul.f32 v49, v49;
	v53 =	vpop (erf);
	(erf) = vrcp.f32 v18  }
0xa0: {  	v4 =	vmul.f32 v63, v33;
	v63 =	vadd.f32 $-9.375000000e-01, v59;
	(erf) = vrcp.f32 v14  }
0xa1: {  	v54 =	vsub.f32 v53, v19;
	v30 =	vmul.f32 v26, v30;
	v29 =	vmul.f32 v61, v29  }
0xa2: {  	v32 =	vsub.f32 $1.500000000e+00, v32;
	v61 =	vmul.f32 v24, v24;
	v5 =	vmul.f32 v60, v49  }
0xa3: {  	v53 =	vmin.f32 v15, $2.000000000e+00;
	v33 =	vmul.f32 v63, v45;
	v25 =	vmul.f32 v54, v25  }
0xa4: {  	v28 =	vsub.f32 $1.500000000e+00, v28;
	(erf) = vrcp.f32 v15;
	v58 =	vmul.f32 $1.875000000e-01, v53  }
0xa5: {  	v32 =	vmul.f32 v39, v32;
	v20 =	vmul.f32 v53, v53;
	v19 =	vadd.f32 v25, v19  }
0xa6: {  	v23 =	vsub.f32 v23, v27;
	(erf) = vrcp.f32 v11;
	v54 =	vmul.f32 $1.875000000e-01, v49  }
0xa7: {  	v30 =	vsub.f32 $1.500000000e+00, v30;
	v25 =	vmul.f32 $5.000000000e-01, v34;
	v19 =	vadd.f32 $-2.000000030e-01, v19  }
0xa8: {  	v6 =	vmul.f32 v61, v24;
	v24 =	vmul.f32 v52, v52;
	v37 =	vadd.f32 $-9.375000000e-01, v58  }
0xa9: {  	v20 =	vmul.f32 v20, v53;
	v25 =	vmul.f32 v50, v25;
	v19 =	vadd.f32 v19, v62  }
0xaa: {  	v21 =	vsub.f32 v21, v32;
	v26 =	vmul.f32 v26, v30;
	v30 =	vmul.f32 $1.875000000e-01, v51  }
0xab: {  	v25 =	vmul.f32 v50, v25;
	v19 =	vmul.f32 v19, v31;
	v31 =	vmin.f32 v16, $2.000000000e+00  }
0xac: {  	v44 =	vadd.f32 $-9.375000000e-01, v54;
	v30 =	vadd.f32 $-9.375000000e-01, v30;
	v56 =	vmul.f32 $1.875000000e-01, v31  }
0xad: {  	v60 =	vld [tilespmem:s21+$0xFFFFFFF0];
	v24 =	vmul.f32 v24, v52;
	v62 =	vmul.f32 v51, v51;
	v25 =	vsub.f32 $1.500000000e+00, v25  }
0xae: {  	v55 =	vld [tilespmem:s21+$0xFFFFFFD0];
	v37 =	vmul.f32 v37, v53;
	v30 =	vmul.f32 v30, v51;
	v47 =	vadd.f32 $-9.375000000e-01, v56  }
0xaf: {  	v59 =	vld [tilespmem:s3+$0xFFFFFFF0];
	v34 =	vadd.f32 $-9.375000000e-01, v57;
	v35 =	vmul.f32 v62, v51;
	v3 =	vmul.f32 v50, v25  }
0xb0: {  	v58 =	vld [tilespmem:s21+$0xFFFFFFE0];
	v30 =	vadd.f32 $1.250000000e+00, v30;
	v25 =	vmul.f32 v31, v31;
	v47 =	vmul.f32 v47, v31  }
0xb1: {  	v53 =	vadd.f32 $1.250000000e+00, v46;
	v44 =	vmul.f32 v44, v49;
	v34 =	vmul.f32 v34, v52;
	v49 =	vld [tilespmem:s21+$0xFFFFFFC0]  }
0xb2: {  	v62 =	vld [tilespmem:s3+$0x0];
	v30 =	vmul.f32 v30, v35;
	v25 =	vmul.f32 v25, v31;
	v54 =	vadd.f32 $1.250000000e+00, v47  }
0xb3: {  	s8 =	sadd.s32 $0x1E140, s22;
	v6 =	vmul.f32 v53, v6;
	v51 =	vmul.f32 v45, v45;
	v50 =	vadd.f32 $1.250000000e+00, v44;
	v31 =	vld [tilespmem:s3+$0xFFFFFFC0]  }
0xb4: {  	[tilespmem:s8+$0x30] =	vst v2;
	v33 =	vadd.f32 $1.250000000e+00, v33;
	v52 =	vld [tilespmem:s3+$0xFFFFFFD0];
	v57 =	vpop (erf);
	v21 =	vmul.f32 v21, v30;
	v25 =	vmul.f32 v54, v25  }
0xb5: {  	v2 =	vld.idx.msk [tilespmem:v60+s6+$0x0], $0xffff;
	v41 =	vsub.f32 v57, v26;
	v39 =	vmul.f32 v51, v45;
	v5 =	vmul.f32 v50, v5  }
0xb6: {  	v22 =	vsub.f32 v22, v29;
	v61 =	vpop (erf);
	v6 =	vmul.f32 v23, v6;
	v23 =	vld [tilespmem:s21+$0x0];
	v21 =	vadd.f32 v21, v32  }
0xb7: {  	v37 =	vadd.f32 $1.250000000e+00, v37;
	v63 =	vpop (erf);
	v56 =	vld [tilespmem:s3+$0xFFFFFFE0];
	v33 =	vmul.f32 v33, v39;
	v5 =	vmul.f32 v41, v5  }
0xb8: {  	v39 =	vsub.f32 v63, v4;
	v30 =	vld [tilespmem:s21+$0x10];
	v21 =	vadd.f32 $-2.000000030e-01, v21;
	v22 =	vmul.f32 v22, v25;
	v25 =	vpop (erf)  }
0xb9: {  	v20 =	vmul.f32 v37, v20;
	v5 =	vadd.f32 v5, v26;
	v26 =	vld [tilespmem:s3+$0x10];
	v25 =	vsub.f32 v25, v3  }
0xba: {  	[tilespmem:s8+$0xFFFFFFC0] =	vst v13;
	v28 =	vmul.f32 v36, v28;
	v34 =	vadd.f32 $1.250000000e+00, v34;
	v13 =	vadd.f32 v21, v12;
	v12 =	vld.idx.msk [tilespmem:v62+s6+$0x0], $0xffff  }
0xbb: {  	v6 =	vadd.f32 v6, v27;
	v20 =	vmul.f32 v39, v20;
	v27 =	vld.idx.msk [tilespmem:v31+s6+$0x0], $0xffff;
	v25 =	vmul.f32 v25, v33  }
0xbc: {  	vm3 =	vle.f32 v18, $1.000000000e+01;
	v37 =	vsub.f32 v61, v28;
	v22 =	vadd.f32 v22, v29;
	v29 =	vld.idx.msk [tilespmem:v49+s6+$0x0], $0xffff  }
0xbd: {  	v20 =	vadd.f32 v20, v4;
	v4 =	vmul.f32 $9.999999770e-03, v18;
	v31 =	vld [tilespmem:s3+$0x20];
	v18 =	vadd.f32 v25, v3  }
0xbe: {  	v24 =	vmul.f32 v34, v24;
	v25 =	vld [tilespmem:s21+$0x20];
	v3 =	vadd.f32 $-2.000000030e-01, v5;
	v5 =	vadd.f32 $-2.000000030e-01, v6  }
0xbf: {  	v9 =	vnsel vm7, $0x0, v9;
	vm5 =	vle.f32 v16, $1.000000000e+01;
	v6 =	vld.idx.msk [tilespmem:v52+s6+$0x0], $0xffff  }
0xc0: {  	v24 =	vmul.f32 v37, v24;
	v3 =	vadd.f32 v3, v4;
	v4 =	vadd.f32 v5, v17;
	v17 =	vld.idx.msk [tilespmem:v55+s6+$0x0], $0xffff  }
0xc1: {  	[tilespmem:s8+$0xFFFFFFE0] =	vst v9;
	v16 =	vmul.f32 $9.999999770e-03, v16;
	v9 =	vnsel vm14, $0x0, v19;
	v22 =	vadd.f32 $-2.000000030e-01, v22;
	v19 =	vld.idx.msk [tilespmem:v26+s6+$0x0], $0xffff  }
0xc2: {  	v24 =	vadd.f32 v24, v28;
	v28 =	vmul.f32 v29, v27;
	v27 =	vld.idx.msk [tilespmem:v58+s6+$0x0], $0xffff  }
0xc3: {  	v5 =	vadd.f32 v22, v16;
	v16 =	vld.idx.msk [tilespmem:v56+s6+$0x0], $0xffff  }
0xc4: {  	v29 =	vld.idx.msk [tilespmem:v59+s6+$0x0], $0xffff;
	v22 =	vadd.f32 $-2.000000030e-01, v24;
	v24 =	vmul.f32 $9.999999770e-03, v14  }
0xc5: {  	vm9 =	vle.f32 v14, $1.000000000e+01;
	v14 =	vmul.f32 v17, v6;
	v17 =	vld.idx.msk [tilespmem:v23+s6+$0x0], $0xffff  }
0xc6: {  	v8 =	vnsel vm12, $0x0, v8;
	v6 =	vnsel vm0, $0x0, v10;
	v10 =	vadd.f32 v22, v24;
	v22 =	vld.idx.msk [tilespmem:v30+s6+$0x0], $0xffff  }
0xc7: {  	s23 =	sadd.s32 $0x80, s8;
	vm8 =	vle.f32 v15, $1.000000000e+01;
	v15 =	vmul.f32 $9.999999770e-03, v15;
	v20 =	vadd.f32 $-2.000000030e-01, v20;
	v23 =	vld.idx.msk [tilespmem:v31+s6+$0x0], $0xffff  }
0xc8: {  	vm7 =	vle.f32 v11, $1.000000000e+01;
	v11 =	vmul.f32 $9.999999770e-03, v11;
	[tilespmem:s23+$0x30] =	vst v9;
	v9 =	vmul.f32 v27, v16;
	v27 =	vld.idx.msk [tilespmem:v25+s6+$0x0], $0xffff  }
0xc9: {  	vm0 =	vmmov vm13;
	[tilespmem:s8+$0xFFFFFFD0] =	vst v6;
	v6 =	vadd.f32 v20, v15;
	v15 =	vadd.f32 $-2.000000030e-01, v18  }
0xca: {  	[tilespmem:s8+$0xFFFFFFF0] =	vst v8;
	v8 =	vmul.f32 v2, v29;
	v2 =	vnsel vm0, $0x0, v7  }
0xcb: {  	s9 =	simm.s32 $0x80;
	vm1 =	vmmov vm11;
	s22 =	smul.u32 $0xF00, s26;
	s10 =	sadd.s32 $0x80, s10;
	vm0 =	vmmov vm10;
	[tilespmem:s8+$0x0] =	vst v2;
	v7 =	vadd.f32 v15, v11  }
.LBB2_3:
0xcc: {  	v11 =	vmul.f32 v17, v12  }
0xcd: {  	v16 =	vld [tilespmem:s10+$0x30];
	v12 =	vmul.f32 v22, v19;
	v17 =	vmul.f32 v27, v23  }
0xce: {  	v2 =	vld [tilespmem:s10+$0xFFFFFFD0];
	v15 =	vmul.f32 v3, v28;
	v9 =	vmul.f32 v5, v9  }
0xcf: {  	vm2 =	vmmov vm9;
	v13 =	vmul.f32 v13, v8;
	v8 =	vmul.f32 v10, v11  }
0xd0: {  	v3 =	vld [tilespmem:s10+$0xFFFFFFE0];
	v9 =	vnsel vm5, $0x0, v9;
	v1 =	vnsel vm0, $0x0, v0;
	vm0 =	vmmov vm8  }
0xd1: {  	v0 =	vnsel vm1, $0x0, v48;
	vm1 =	vmmov vm7;
	v8 =	vnsel vm2, $0x0, v8;
	[tilespmem:s8+$0x10] =	vst v1  }
0xd2: {  	v5 =	vld [tilespmem:s10+$0x0];
	v1 =	vmul.f32 v4, v14;
	[tilespmem:s8+$0x20] =	vst v0;
	v0 =	vnsel vm3, $0x0, v15;
	v11 =	vmul.f32 v16, v16  }
0xd3: {  	(erf) = vrcp.f32 v2;
	v18 =	vmin.f32 v16, $2.000000000e+00;
	v59 =	vmul.f32 $9.999999770e-03, v16  }
0xd4: {  	[tilespmem:s23+$0xFFFFFFC0] =	vst v0;
	v0 =	vmul.f32 v6, v12;
	v12 =	vnsel vm6, $0x0, v13;
	v13 =	vmul.f32 v2, v2  }
0xd5: {  	vm3 =	vle.f32 v16, $1.000000000e+01;
	v14 =	vmul.f32 v3, v3;
	(erf) = vrcp.f32 v3  }
0xd6: {  	v19 =	vmul.f32 $1.875000000e-01, v18;
	v33 =	vmul.f32 v18, v18;
	v37 =	vmin.f32 v3, $2.000000000e+00  }
0xd7: {  	v38 =	vmin.f32 v5, $2.000000000e+00;
	vm5 =	vle.f32 v3, $1.000000000e+01;
	vm9 =	vle.f32 v5, $1.000000000e+01  }
0xd8: {  	v4 =	vld [tilespmem:s10+$0xFFFFFFF0];
	v10 =	vnsel vm4, $0x0, v1;
	v1 =	vmul.f32 v7, v17;
	v11 =	vadd.f32 $1.000000000e+00, v11  }
0xd9: {  	[tilespmem:s23+$0xFFFFFFF0] =	vst v12;
	v17 =	vmul.f32 v5, v5;
	vm4 =	vle.f32 v2, $1.000000000e+01;
	v61 =	vmul.f32 $1.875000000e-01, v37  }
0xda: {  	[tilespmem:s23+$0xFFFFFFD0] =	vst v10;
	v10 =	vmin.f32 v2, $2.000000000e+00;
	v12 =	vadd.f32 $1.000000000e+00, v13;
	v14 =	vadd.f32 $1.000000000e+00, v14  }
0xdb: {  	v19 =	vadd.f32 $-9.375000000e-01, v19;
	v2 =	vmul.f32 $9.999999770e-03, v2;
	v15 =	vshra.s32 v11, $0x1  }
0xdc: {  	v6 =	vld [tilespmem:s10+$0x10];
	v11 =	vmul.f32 $5.000000000e-01, v11;
	v17 =	vadd.f32 $1.000000000e+00, v17;
	v60 =	vmul.f32 $1.875000000e-01, v10  }
0xdd: {  	[tilespmem:s23+$0xFFFFFFE0] =	vst v9;
	v9 =	vld [tilespmem:s10+$0xFFFFFFC0];
	v13 =	vmul.f32 v4, v4;
	(erf) = vrcp.f32 v4;
	v15 =	vsub.s32 $0x5F3759DF, v15  }
0xde: {  	v7 =	vld [tilespmem:s10+$0x20];
	v26 =	vshra.s32 v12, $0x1;
	v19 =	vmul.f32 v19, v18;
	v18 =	vmul.f32 v33, v18  }
0xdf: {  	s21 =	sadd.s32 $0x80, s21;
	v12 =	vmul.f32 $5.000000000e-01, v12;
	v32 =	vshra.s32 v14, $0x1;
	v43 =	vmul.f32 $5.000000000e-01, v14  }
0xe0: {  	v27 =	vld [tilespmem:s21+$0xFFFFFFC0];
	vm6 =	vle.f32 v4, $1.000000000e+01;
	(erf) = vrcp.f32 v16;
	v11 =	vmul.f32 v15, v11  }
0xe1: {  	s3 =	sadd.s32 $0x80, s3;
	v35 =	vshra.s32 v17, $0x1;
	v17 =	vmul.f32 $5.000000000e-01, v17;
	v34 =	vsub.s32 $0x5F3759DF, v32  }
0xe2: {  	v22 =	vld [tilespmem:s3+$0x30];
	v51 =	vmin.f32 v6, $2.000000000e+00;
	vm8 =	vle.f32 v6, $1.000000000e+01;
	v20 =	vmul.f32 v9, v9  }
0xe3: {  	v24 =	vld [tilespmem:s21+$0x30];
	v21 =	vadd.f32 $1.000000000e+00, v13;
	v13 =	vmul.f32 v6, v6;
	v23 =	vmul.f32 v7, v7  }
0xe4: {  	v46 =	vld [tilespmem:s21+$0x0];
	v19 =	vadd.f32 $1.250000000e+00, v19;
	v32 =	vsub.s32 $0x5F3759DF, v35;
	v52 =	vmin.f32 v7, $2.000000000e+00  }
0xe5: {  	v41 =	vld [tilespmem:s3+$0xFFFFFFE0];
	[tilespmem:$0x1FFF0] =	vst v0;
	v55 =	vmul.f32 $1.875000000e-01, v51;
	vm7 =	vle.f32 v7, $1.000000000e+01;
	v0 =	vmul.f32 v15, v11  }
0xe6: {  	v42 =	vld [tilespmem:s21+$0xFFFFFFE0];
	v56 =	vmul.f32 $1.875000000e-01, v52;
	v20 =	vadd.f32 $1.000000000e+00, v20;
	v31 =	vadd.f32 $1.000000000e+00, v13  }
0xe7: {  	v47 =	vld [tilespmem:s3+$0x10];
	v14 =	vmul.f32 v19, v18;
	v19 =	vshra.s32 v21, $0x1;
	v21 =	vmul.f32 $5.000000000e-01, v21  }
0xe8: {  	v29 =	vsub.f32 $1.500000000e+00, v0;
	v11 =	vpop (erf);
	v16 =	vld.idx.msk [tilespmem:v27+s6+$0x0], $0xffff;
	v27 =	vmul.f32 v34, v43;
	v0 =	vmul.f32 v51, v51  }
0xe9: {  	v48 =	vld [tilespmem:s21+$0x10];
	v30 =	vshra.s32 v20, $0x1;
	v13 =	vpop (erf);
	v36 =	vshra.s32 v31, $0x1;
	v45 =	vmul.f32 $5.000000000e-01, v31  }
0xea: {  	v49 =	vld [tilespmem:s3+$0x20];
	v29 =	vmul.f32 v15, v29;
	v33 =	vsub.s32 $0x5F3759DF, v30;
	v30 =	vsub.s32 $0x5F3759DF, v36;
	v15 =	vpop (erf)  }
0xeb: {  	v50 =	vld [tilespmem:s21+$0x20];
	v23 =	vadd.f32 $1.000000000e+00, v23;
	v20 =	vmul.f32 $5.000000000e-01, v20;
	v43 =	vmul.f32 v30, v45;
	v28 =	vpop (erf)  }
0xec: {  	v22 =	vld.idx.msk [tilespmem:v22+s6+$0x0], $0xffff;
	v27 =	vmul.f32 v34, v27;
	v0 =	vmul.f32 v0, v51;
	v18 =	vsub.f32 v28, v29  }
0xed: {  	v24 =	vld.idx.msk [tilespmem:v24+s6+$0x0], $0xffff;
	v62 =	vadd.f32 $-9.375000000e-01, v56;
	(erf) = vrcp.f32 v9;
	v43 =	vmul.f32 v30, v43  }
0xee: {  	v25 =	vld [tilespmem:s3+$0xFFFFFFC0];
	v28 =	vsub.s32 $0x5F3759DF, v26;
	(erf) = vrcp.f32 v5;
	v14 =	vmul.f32 v18, v14  }
0xef: {  	v44 =	vld [tilespmem:s3+$0xFFFFFFF0];
	v31 =	vmin.f32 v9, $2.000000000e+00;
	(erf) = vrcp.f32 v6;
	v12 =	vmul.f32 v28, v12  }
0xf0: {  	v39 =	vld [tilespmem:s3+$0xFFFFFFD0];
	v6 =	vmul.f32 $9.999999770e-03, v6;
	v18 =	vshra.s32 v23, $0x1;
	v14 =	vadd.f32 v14, v29  }
0xf1: {  	v23 =	vmul.f32 $5.000000000e-01, v23;
	v35 =	vsub.s32 $0x5F3759DF, v18;
	v29 =	vsub.s32 $0x5F3759DF, v19;
	v19 =	vld [tilespmem:s3+$0x0]  }
0xf2: {  	v40 =	vld [tilespmem:s21+$0xFFFFFFD0];
	v18 =	vmul.f32 v24, v22;
	v22 =	vmul.f32 v33, v20;
	v14 =	vadd.f32 $-2.000000030e-01, v14  }
0xf3: {  	v43 =	vsub.f32 $1.500000000e+00, v43;
	(erf) = vrcp.f32 v7;
	v24 =	vld.idx.msk [tilespmem:v42+s6+$0x0], $0xffff;
	v23 =	vmul.f32 v35, v23  }
0xf4: {  	v42 =	vadd.f32 $-9.375000000e-01, v61;
	v58 =	vmul.f32 v33, v22;
	v22 =	vld.idx.msk [tilespmem:v48+s6+$0x0], $0xffff;
	v14 =	vadd.f32 v14, v59  }
0xf5: {  	v36 =	vmin.f32 v4, $2.000000000e+00;
	v30 =	vmul.f32 v30, v43;
	v63 =	vmul.f32 v35, v23;
	v23 =	vld.idx.msk [tilespmem:v49+s6+$0x0], $0xffff  }
0xf6: {  	v42 =	vmul.f32 v42, v37;
	v49 =	vsub.f32 $1.500000000e+00, v27;
	v18 =	vmul.f32 v14, v18;
	v14 =	vld.idx.msk [tilespmem:v25+s6+$0x0], $0xffff  }
0xf7: {  	v59 =	vmul.f32 v28, v12;
	v48 =	vsub.f32 $1.500000000e+00, v63;
	v63 =	vmul.f32 v38, v38;
	v25 =	vld.idx.msk [tilespmem:v44+s6+$0x0], $0xffff  }
0xf8: {  	v34 =	vmul.f32 v34, v49;
	v44 =	vmul.f32 $1.875000000e-01, v38;
	v20 =	vnsel vm3, $0x0, v18;
	v18 =	vld.idx.msk [tilespmem:v39+s6+$0x0], $0xffff  }
0xf9: {  	v56 =	vsub.f32 $1.500000000e+00, v59;
	v59 =	vmul.f32 v10, v10;
	v35 =	vmul.f32 v35, v48;
	v12 =	vld.idx.msk [tilespmem:v19+s6+$0x0], $0xffff  }
0xfa: {  	v42 =	vadd.f32 $1.250000000e+00, v42;
	v39 =	vmul.f32 v29, v21;
	v19 =	vld.idx.msk [tilespmem:v47+s6+$0x0], $0xffff;
	v47 =	vmul.f32 v62, v52  }
0xfb: {  	s8 =	smov.u32 s23;
	s23 =	sadd.s32 $0x80, s23;
	v21 =	vld.idx.msk [tilespmem:v41+s6+$0x0], $0xffff;
	v41 =	vadd.f32 $-9.375000000e-01, v60;
	v62 =	vmul.f32 v36, v36;
	v28 =	vmul.f32 v28, v56  }
0xfc: {  	v44 =	vadd.f32 $-9.375000000e-01, v44;
	[tilespmem:s23+$0x30] =	vst v20;
	v20 =	vld.idx.msk [tilespmem:v40+s6+$0x0], $0xffff;
	v40 =	vmul.f32 v32, v17;
	v17 =	vmul.f32 $1.875000000e-01, v31  }
0xfd: {  	v13 =	vsub.f32 v13, v34;
	v39 =	vmul.f32 v29, v39;
	v41 =	vmul.f32 v41, v10  }
0xfe: {  	vm3 =	vle.f32 v9, $1.000000000e+01;
	v44 =	vmul.f32 v44, v38;
	v10 =	vmul.f32 v59, v10  }
0xff: {  	v53 =	vadd.f32 $-9.375000000e-01, v17;
	v17 =	vmul.f32 $1.875000000e-01, v36;
	v39 =	vsub.f32 $1.500000000e+00, v39  }
0x100: {  	v38 =	vmul.f32 v63, v38;
	v41 =	vadd.f32 $1.250000000e+00, v41;
	v44 =	vadd.f32 $1.250000000e+00, v44  }
0x101: {  	v45 =	vpop (erf);
	v40 =	vmul.f32 v32, v40;
	v61 =	vadd.f32 $-9.375000000e-01, v17;
	v17 =	vld.idx.msk [tilespmem:v46+s6+$0x0], $0xffff;
	v46 =	vadd.f32 $-9.375000000e-01, v55  }
0x102: {  	v54 =	vpop (erf);
	v53 =	vmul.f32 v53, v31;
	v55 =	vsub.f32 $1.500000000e+00, v58;
	v58 =	vmul.f32 v31, v31  }
0x103: {  	v57 =	vpop (erf);
	v11 =	vsub.f32 v11, v28;
	v29 =	vmul.f32 v29, v39;
	v10 =	vmul.f32 v41, v10  }
0x104: {  	v27 =	vld.idx.msk [tilespmem:v50+s6+$0x0], $0xffff;
	v59 =	vsub.f32 v57, v30;
	v38 =	vmul.f32 v44, v38;
	v50 =	vmul.f32 v61, v36  }
0x105: {  	v40 =	vsub.f32 $1.500000000e+00, v40;
	v46 =	vmul.f32 v46, v51;
	v61 =	vmul.f32 v37, v37  }
0x106: {  	v39 =	vadd.f32 $1.250000000e+00, v47;
	v33 =	vmul.f32 v33, v55;
	v55 =	vmul.f32 v52, v52  }
0x107: {  	v60 =	vpop (erf);
	v53 =	vadd.f32 $1.250000000e+00, v53;
	v32 =	vmul.f32 v32, v40;
	v31 =	vmul.f32 v58, v31  }
0x108: {  	v36 =	vmul.f32 v62, v36;
	v62 =	vsub.f32 v60, v35;
	v10 =	vmul.f32 v11, v10  }
0x109: {  	v50 =	vadd.f32 $1.250000000e+00, v50;
	v46 =	vadd.f32 $1.250000000e+00, v46;
	v37 =	vmul.f32 v61, v37  }
0x10a: {  	v56 =	vsub.f32 v45, v33;
	v61 =	vmul.f32 v55, v52;
	v31 =	vmul.f32 v53, v31  }
0x10b: {  	v26 =	vld [tilespmem:s21+$0xFFFFFFF0];
	v15 =	vsub.f32 v15, v29;
	v37 =	vmul.f32 v42, v37;
	v36 =	vmul.f32 v50, v36  }
0x10c: {  	v58 =	vsub.f32 v54, v32;
	v0 =	vmul.f32 v46, v0;
	v31 =	vmul.f32 v56, v31  }
0x10d: {  	[tilespmem:s8+$0x0] =	vst v8;
	v8 =	vadd.f32 v10, v28;
	v39 =	vmul.f32 v39, v61;
	v11 =	vmul.f32 v13, v37  }
0x10e: {  	v13 =	vadd.f32 v31, v33;
	v15 =	vmul.f32 v15, v36;
	v31 =	vmul.f32 v58, v38  }
0x10f: {  	v8 =	vadd.f32 $-2.000000030e-01, v8;
	v0 =	vmul.f32 v59, v0;
	v11 =	vadd.f32 v11, v34  }
0x110: {  	v10 =	vmul.f32 v62, v39;
	v15 =	vadd.f32 v15, v29;
	v28 =	vadd.f32 v31, v32  }
0x111: {  	v9 =	vmul.f32 $9.999999770e-03, v9;
	v0 =	vadd.f32 v0, v30;
	v13 =	vadd.f32 $-2.000000030e-01, v13  }
0x112: {  	s9 =	sadd.s32 $0x80, s9;
	v29 =	vmul.f32 $9.999999770e-03, v3;
	v3 =	vadd.f32 v10, v35;
	v10 =	vadd.f32 $-2.000000030e-01, v11  }
0x113: {  	p1 =	slt.u32 s9, $0xE80;
	v26 =	vld.idx.msk [tilespmem:v26+s6+$0x0], $0xffff;
	v31 =	vmul.f32 $9.999999770e-03, v5;
	v15 =	vadd.f32 $-2.000000030e-01, v15;
	v30 =	vadd.f32 $-2.000000030e-01, v28  }
.Ltmp0:
0x114: {  	v11 =	vmul.f32 $9.999999770e-03, v4;
	v0 =	vadd.f32 $-2.000000030e-01, v0;
	v63 =	vadd.f32 $-2.000000030e-01, v3;
	(pc) =	sbr.rel @p1 .LBB2_3-.Ltmp0, $4  }
0x115: {  	v3 =	vadd.f32 v13, v9;
	v4 =	vadd.f32 v8, v2;
	v2 =	vmul.f32 $9.999999770e-03, v7  }
0x116: {  	v28 =	vmul.f32 v16, v14;
	v14 =	vmul.f32 v20, v18;
	v5 =	vadd.f32 v10, v29  }
0x117: {  	v9 =	vmul.f32 v24, v21;
	v13 =	vadd.f32 v15, v11;
	v10 =	vadd.f32 v30, v31  }
0x118: {  	s10 =	sadd.s32 $0x80, s10;
	v48 =	vmovc v1;
	v8 =	vmul.f32 v26, v25;
	v6 =	vadd.f32 v0, v6;
	v0 =	vld [tilespmem:$0x1FFF0];
	v7 =	vadd.f32 v63, v2  }
0x119: {  	v1 =	vmul.f32 v3, v28  }
0x11a: {  	v52 =	vnsel vm1, $0x0, v48;
	v2 =	vmul.f32 v4, v14  }
0x11b: {  	v54 =	vmul.f32 v5, v9;
	[tilespmem:s8+$0x20] =	vst v52;
	v55 =	vnsel vm3, $0x0, v1  }
0x11c: {  	v53 =	vmul.f32 v17, v12;
	v57 =	vmul.f32 v13, v8;
	v58 =	vnsel vm4, $0x0, v2;
	[tilespmem:s23+$0xFFFFFFC0] =	vst v55  }
0x11d: {  	v56 =	vmul.f32 v22, v19;
	v60 =	vnsel vm5, $0x0, v54;
	[tilespmem:s23+$0xFFFFFFD0] =	vst v58  }
0x11e: {  	v59 =	vmul.f32 v27, v23;
	v3 =	vmul.f32 v10, v53;
	v61 =	vnsel vm6, $0x0, v57;
	[tilespmem:s23+$0xFFFFFFE0] =	vst v60  }
0x11f: {  	vm13 =	vmmov vm9;
	s3 =	smul.u32 $0xF00, s24;
	v1 =	vmul.f32 v6, v56;
	v0 =	vnsel vm0, $0x0, v0;
	[tilespmem:s23+$0xFFFFFFF0] =	vst v61  }
0x120: {  	vm14 =	vmmov vm8;
	v62 =	vmul.f32 v7, v59;
	v63 =	vnsel vm13, $0x0, v3;
	[tilespmem:s8+$0x10] =	vst v0  }
0x121: {  	vm15 =	vmmov vm7;
	p1 =	sgt.u32 s24, $0x31;
	s21 =	sadd.s32 s7, s3;
	v1 =	vnsel vm14, $0x0, v1;
	[tilespmem:s23+$0x0] =	vst v63  }
0x122: {  	s9 =	sor.u32 $0x4, s26;
	s3 =	sadd.s32 @!p1 s3, s15;
	[tilespmem:s23+$0x10] =	vst v1;
	v0 =	vnsel vm15, $0x0, v62;
	s8 =	sshrl.u32 s21, $0x3  }
0x123: {  	s10 =	sadd.s32 $0x1E100, s22;
	s3 =	sshrl.u32 @!p1 s3, $0x3;
	[tilespmem:s23+$0x20] =	vst v0;
	s8 =	sadd.s32 s5, s8  }
0x124: {  	[hbm4b:s8+s6] =	stream.linear.scatter [tilespmem:s10], [sflag:s9], $0xF00, $0x38;
	[tilespmem:$0x1FF00] =	vst v63  }
0x125: {  	s8 =	sadd.s32 @!p1 $0x18700, s22;
	s9 =	sadd.s32 @!p1 s0, s3;
	s10 =	simm.s32 @!p1 $0x0  }
0x126: {  	[tilespmem:s8], [sflag:s25] =	stream.linear.gather @!p1 [hbm4b:s9+s10], $0xF00, $0x38;
	[tilespmem:$0x1FF00] =	vst v63  }
0x127: {  	s8 =	sadd.s32 @!p1 $0x1A500, s22;
	s9 =	sadd.s32 @!p1 s2, s3  }
0x128: {  	[tilespmem:s8], [sflag:s25] =	stream.linear.gather @!p1 [hbm4b:s9+s10], $0xF00, $0x38;
	[tilespmem:$0x1FF00] =	vst v63  }
0x129: {  	s24 =	sadd.s32 $0x1, s24;
	s3 =	sadd.s32 @!p1 s4, s3;
	s8 =	sadd.s32 @!p1 $0x1C300, s22  }
0x12a: {  	[tilespmem:s8], [sflag:s25] =	stream.linear.gather @!p1 [hbm4b:s3+s10], $0xF00, $0x38;
	[tilespmem:$0x1FF00] =	vst v63  }
0x12b: {  	p1 =	sne.s32 s24, $0x34  }
.Ltmp1:
0x12c: {  	_ = 	snop;
	(pc) =	sbr.rel @p1 .LBB2_2-.Ltmp1, $2  }
0x12d: {  	_ =	sdelay $0x2  }
0x12e: {  	p0 =	por !p0, !p0  }
0x12f: {  	_ =	swait.ge [sflag:s29], $0xF00  }
0x130: {  	[sflag:s29] =	ssyncset.done $0x0  }
0x131: {  	[sflag:s29] =	ssyncadd.s32 $0xFFFFF100  }
0x132: {  	_ =	swait.ge [sflag:s30], $0xF00  }
0x133: {  	[sflag:s30] =	ssyncset.done $0x0  }
0x134: {  	s23 =	simm.s32 $0x18700;
	[sflag:s30] =	ssyncadd.s32 $0xFFFFF100  }
0x135: {  	[tilespmem:s23], [sflag:$0x6] =	stream.linear.gather [hbm4b:s16+s6], $0x140, $0x38;
	[tilespmem:$0x1FF00] =	vst v63  }
0x136: {  	_ =	swait.ge [sflag:s31], $0x140  }
0x137: {  	[sflag:s31] =	ssyncset.done $0x0  }
0x138: {  	s24 =	simm.s32 $0x1A500;
	[sflag:s31] =	ssyncadd.s32 $0xFFFFFEC0  }
0x139: {  	[tilespmem:s24], [sflag:$0x6] =	stream.linear.gather [hbm4b:s17+s6], $0x140, $0x38;
	[tilespmem:$0x1FF00] =	vst v63  }
0x13a: {  	_ =	swait.ge [sflag:s31], $0x140  }
0x13b: {  	[sflag:s31] =	ssyncset.done $0x0  }
0x13c: {  	s25 =	simm.s32 $0x1C300;
	[sflag:s31] =	ssyncadd.s32 $0xFFFFFEC0  }
0x13d: {  	[tilespmem:s25], [sflag:$0x6] =	stream.linear.gather [hbm4b:s18+s6], $0x140, $0x38;
	[tilespmem:$0x1FF00] =	vst v63  }
0x13e: {  	_ =	swait.ge [sflag:s31], $0x140  }
0x13f: {  	[sflag:s31] =	ssyncset.done $0x0  }
0x140: {  	s3 =	simm.s32 $0x18720;
	[sflag:s31] =	ssyncadd.s32 $0xFFFFFEC0  }
0x141: {  	v0 =	vld [tilespmem:s3+$0x10]  }
0x142: {  	v1 =	vld [tilespmem:s3+$0xFFFFFFF0]  }
0x143: {  	v2 =	vld [tilespmem:s3+$0x0]  }
0x144: {  	v3 =	vld [tilespmem:s3+$0xFFFFFFE0];
	_ =	sdelay $0x2  }
0x145: {  	v4 =	vmul.f32 v0, v0  }
0x146: {  	v5 =	vmul.f32 v1, v1;
	(erf) = vrcp.f32 v1  }
0x147: {  	v6 =	vmul.f32 v2, v2;
	v7 =	vmin.f32 v1, $2.000000000e+00;
	v8 =	vmul.f32 v3, v3  }
0x148: {  	s22 =	simm.s32 $0x1A520;
	v10 =	vmin.f32 v0, $2.000000000e+00;
	v19 =	vmin.f32 v3, $2.000000000e+00;
	v25 =	vmul.f32 $9.999999770e-03, v0  }
0x149: {  	s8 =	simm.s32 $0x1C320;
	v14 =	vld [tilespmem:s22+$0x10];
	v21 =	vmin.f32 v2, $2.000000000e+00;
	(erf) = vrcp.f32 v2;
	v11 =	vmul.f32 $1.875000000e-01, v10  }
0x14a: {  	v15 =	vld [tilespmem:s8+$0x10];
	vm1 =	vle.f32 v3, $1.000000000e+01;
	v17 =	vmul.f32 v10, v10;
	v22 =	vmul.f32 $1.875000000e-01, v7  }
0x14b: {  	vm2 =	vle.f32 v0, $1.000000000e+01;
	v28 =	vmul.f32 v19, v19;
	v51 =	vmul.f32 v7, v7  }
0x14c: {  	v4 =	vadd.f32 $1.000000000e+00, v4;
	(erf) = vrcp.f32 v3;
	v8 =	vadd.f32 $1.000000000e+00, v8  }
0x14d: {  	v5 =	vadd.f32 $1.000000000e+00, v5;
	v6 =	vadd.f32 $1.000000000e+00, v6;
	(erf) = vrcp.f32 v0  }
0x14e: {  	v11 =	vadd.f32 $-9.375000000e-01, v11;
	v9 =	vshra.s32 v4, $0x1;
	v4 =	vmul.f32 $5.000000000e-01, v4  }
0x14f: {  	v22 =	vadd.f32 $-9.375000000e-01, v22;
	v12 =	vshra.s32 v8, $0x1;
	v9 =	vsub.s32 $0x5F3759DF, v9  }
0x150: {  	v8 =	vmul.f32 $5.000000000e-01, v8;
	v13 =	vshra.s32 v5, $0x1;
	v4 =	vmul.f32 v9, v4  }
0x151: {  	v14 =	vld.idx.msk [tilespmem:v14+s6+$0x0], $0xffff;
	v5 =	vmul.f32 $5.000000000e-01, v5;
	v16 =	vshra.s32 v6, $0x1;
	v6 =	vmul.f32 $5.000000000e-01, v6  }
0x152: {  	v15 =	vld.idx.msk [tilespmem:v15+s6+$0x0], $0xffff;
	v12 =	vsub.s32 $0x5F3759DF, v12;
	v11 =	vmul.f32 v11, v10;
	v4 =	vmul.f32 v9, v4  }
0x153: {  	v13 =	vsub.s32 $0x5F3759DF, v13;
	v10 =	vmul.f32 v17, v10;
	v8 =	vmul.f32 v12, v8  }
0x154: {  	v22 =	vmul.f32 v22, v7;
	v7 =	vmul.f32 v51, v7;
	v18 =	vpop (erf);
	v4 =	vsub.f32 $1.500000000e+00, v4  }
0x155: {  	v16 =	vsub.s32 $0x5F3759DF, v16;
	v5 =	vmul.f32 v13, v5;
	v8 =	vmul.f32 v12, v8;
	v20 =	vpop (erf)  }
0x156: {  	v26 =	vld [tilespmem:s8+$0xFFFFFFF0];
	v6 =	vmul.f32 v16, v6;
	v11 =	vadd.f32 $1.250000000e+00, v11;
	v4 =	vmul.f32 v9, v4;
	v9 =	vpop (erf)  }
0x157: {  	v5 =	vmul.f32 v13, v5;
	v14 =	vmul.f32 v15, v14;
	v15 =	vld [tilespmem:s8+$0x0];
	v8 =	vsub.f32 $1.500000000e+00, v8;
	v17 =	vpop (erf)  }
0x158: {  	v6 =	vmul.f32 v16, v6;
	v10 =	vmul.f32 v11, v10;
	v11 =	vsub.f32 v17, v4  }
0x159: {  	v24 =	vld [tilespmem:s22+$0xFFFFFFF0];
	v5 =	vsub.f32 $1.500000000e+00, v5;
	v8 =	vmul.f32 v12, v8;
	v17 =	vmul.f32 $1.875000000e-01, v19  }
0x15a: {  	v23 =	vld [tilespmem:s22+$0xFFFFFFE0];
	v6 =	vsub.f32 $1.500000000e+00, v6;
	v10 =	vmul.f32 v11, v10;
	v11 =	vmul.f32 $1.875000000e-01, v21  }
0x15b: {  	v27 =	vld [tilespmem:s22+$0x0];
	v12 =	vadd.f32 $1.250000000e+00, v22;
	v13 =	vmul.f32 v13, v5;
	v17 =	vadd.f32 $-9.375000000e-01, v17  }
0x15c: {  	v29 =	vmul.f32 v21, v21;
	v4 =	vadd.f32 v10, v4;
	v10 =	vld [tilespmem:s8+$0xFFFFFFE0];
	v11 =	vadd.f32 $-9.375000000e-01, v11  }
0x15d: {  	v0 =	vsub.f32 v18, v13;
	v7 =	vmul.f32 v12, v7;
	v17 =	vmul.f32 v17, v19  }
0x15e: {  	v5 =	vmul.f32 v28, v19;
	v12 =	vld.idx.msk [tilespmem:v26+s6+$0x0], $0xffff;
	v4 =	vadd.f32 $-2.000000030e-01, v4;
	v11 =	vmul.f32 v11, v21  }
0x15f: {  	s26 =	simm.s32 $0x18760;
	v6 =	vmul.f32 v16, v6;
	v0 =	vmul.f32 v0, v7;
	v7 =	vld.idx.msk [tilespmem:v15+s6+$0x0], $0xffff;
	v17 =	vadd.f32 $1.250000000e+00, v17  }
0x160: {  	v16 =	vmul.f32 v29, v21;
	v15 =	vld [tilespmem:s26+$0xFFFFFFE0];
	v4 =	vadd.f32 v4, v25;
	v11 =	vadd.f32 $1.250000000e+00, v11  }
0x161: {  	vm0 =	vle.f32 v1, $1.000000000e+01;
	v9 =	vsub.f32 v9, v8;
	v5 =	vmul.f32 v17, v5;
	v17 =	vld.idx.msk [tilespmem:v24+s6+$0x0], $0xffff  }
0x162: {  	v18 =	vsub.f32 v20, v6;
	v4 =	vmul.f32 v4, v14;
	v14 =	vld.idx.msk [tilespmem:v23+s6+$0x0], $0xffff;
	v11 =	vmul.f32 v11, v16  }
0x163: {  	vm3 =	vle.f32 v2, $1.000000000e+01;
	v2 =	vmul.f32 $9.999999770e-03, v2;
	v9 =	vmul.f32 v9, v5;
	v16 =	vld.idx.msk [tilespmem:v27+s6+$0x0], $0xffff  }
0x164: {  	vm0 =	vmmov vm0;
	v10 =	vld.idx.msk [tilespmem:v10+s6+$0x0], $0xffff;
	v5 =	vnsel vm2, $0x0, v4;
	v4 =	vmul.f32 v18, v11  }
0x165: {  	v3 =	vmul.f32 $9.999999770e-03, v3;
	v0 =	vadd.f32 v0, v13;
	v8 =	vadd.f32 v9, v8;
	v11 =	vld [tilespmem:s26+$0x10]  }
0x166: {  	v53 =	vmin.f32 v15, $2.000000000e+00;
	vm5 =	vle.f32 v15, $1.000000000e+01;
	v13 =	vadd.f32 v4, v6  }
0x167: {  	v56 =	vmul.f32 $1.875000000e-01, v53;
	v33 =	vmul.f32 v53, v53;
	v4 =	vld [tilespmem:s26+$0xFFFFFFF0];
	v8 =	vadd.f32 $-2.000000030e-01, v8  }
0x168: {  	v9 =	vmul.f32 $9.999999770e-03, v1;
	v1 =	vmul.f32 v12, v17;
	v6 =	vld [tilespmem:s26+$0x0];
	v12 =	vadd.f32 $-2.000000030e-01, v13  }
0x169: {  	v8 =	vadd.f32 v8, v3;
	v13 =	vmul.f32 v15, v15;
	v10 =	vmul.f32 v10, v14  }
0x16a: {  	v14 =	vadd.f32 $-2.000000030e-01, v0;
	v0 =	vmul.f32 v7, v16;
	v7 =	vmul.f32 v11, v11  }
0x16b: {  	v16 =	vmin.f32 v11, $2.000000000e+00;
	v30 =	vmul.f32 $9.999999770e-03, v11;
	vm4 =	vle.f32 v11, $1.000000000e+01  }
0x16c: {  	v2 =	vadd.f32 v12, v2;
	v13 =	vadd.f32 $1.000000000e+00, v13;
	(erf) = vrcp.f32 v4  }
0x16d: {  	v17 =	vmul.f32 $1.875000000e-01, v16;
	v7 =	vadd.f32 $1.000000000e+00, v7;
	(erf) = vrcp.f32 v6  }
0x16e: {  	v23 =	vmul.f32 v16, v16;
	v3 =	vadd.f32 v14, v9;
	(erf) = vrcp.f32 v15  }
0x16f: {  	v14 =	vshra.s32 v7, $0x1;
	v7 =	vmul.f32 $5.000000000e-01, v7;
	(erf) = vrcp.f32 v11  }
0x170: {  	v8 =	vmul.f32 v8, v10;
	v10 =	vmul.f32 v4, v4;
	v14 =	vsub.s32 $0x5F3759DF, v14  }
0x171: {  	s3 =	simm.s32 $0x1A560;
	v9 =	vmin.f32 v4, $2.000000000e+00;
	v12 =	vmul.f32 v6, v6;
	v7 =	vmul.f32 v14, v7  }
0x172: {  	v20 =	vld [tilespmem:s3+$0x10];
	s8 =	simm.s32 $0x1C360;
	v18 =	vshra.s32 v13, $0x1;
	v13 =	vmul.f32 $5.000000000e-01, v13;
	v57 =	vmul.f32 $1.875000000e-01, v9  }
0x173: {  	v21 =	vld [tilespmem:s8+$0x10];
	v17 =	vadd.f32 $-9.375000000e-01, v17;
	v34 =	vmul.f32 v9, v9;
	v7 =	vmul.f32 v14, v7  }
0x174: {  	v10 =	vadd.f32 $1.000000000e+00, v10;
	v12 =	vadd.f32 $1.000000000e+00, v12;
	v18 =	vsub.s32 $0x5F3759DF, v18  }
0x175: {  	v17 =	vmul.f32 v17, v16;
	v16 =	vmul.f32 v23, v16;
	v7 =	vsub.f32 $1.500000000e+00, v7;
	v52 =	vpop (erf)  }
0x176: {  	v13 =	vmul.f32 v18, v13;
	v23 =	vmin.f32 v6, $2.000000000e+00;
	v59 =	vadd.f32 $-9.375000000e-01, v57;
	v54 =	vpop (erf)  }
0x177: {  	v11 =	vmul.f32 v33, v53;
	v17 =	vadd.f32 $1.250000000e+00, v17;
	v7 =	vmul.f32 v14, v7;
	v14 =	vpop (erf)  }
0x178: {  	v19 =	vshra.s32 v10, $0x1;
	v10 =	vmul.f32 $5.000000000e-01, v10;
	v22 =	vshra.s32 v12, $0x1;
	v55 =	vpop (erf)  }
0x179: {  	v35 =	vld [tilespmem:s8+$0x0];
	v12 =	vmul.f32 $5.000000000e-01, v12;
	v16 =	vmul.f32 v17, v16;
	v17 =	vsub.f32 v55, v7  }
0x17a: {  	v20 =	vld.idx.msk [tilespmem:v20+s6+$0x0], $0xffff;
	v58 =	vmul.f32 $1.875000000e-01, v23;
	v19 =	vsub.s32 $0x5F3759DF, v19;
	v13 =	vmul.f32 v18, v13  }
0x17b: {  	v22 =	vsub.s32 $0x5F3759DF, v22;
	v27 =	vmul.f32 v59, v9;
	v16 =	vmul.f32 v17, v16;
	v17 =	vld.idx.msk [tilespmem:v21+s6+$0x0], $0xffff  }
0x17c: {  	v60 =	vld [tilespmem:s3+$0xFFFFFFE0];
	vm2 =	vmmov vm1;
	v10 =	vmul.f32 v19, v10;
	v12 =	vmul.f32 v22, v12  }
0x17d: {  	v31 =	vld [tilespmem:s3+$0xFFFFFFF0];
	v9 =	vmul.f32 v34, v9;
	v13 =	vsub.f32 $1.500000000e+00, v13;
	v27 =	vadd.f32 $1.250000000e+00, v27  }
0x17e: {  	v61 =	vld [tilespmem:s8+$0xFFFFFFE0];
	v10 =	vmul.f32 v19, v10;
	v12 =	vmul.f32 v22, v12;
	v21 =	vadd.f32 $-9.375000000e-01, v56  }
0x17f: {  	v32 =	vld [tilespmem:s8+$0xFFFFFFF0];
	v18 =	vmul.f32 v18, v13;
	v13 =	vmul.f32 v23, v23;
	v7 =	vadd.f32 v16, v7  }
0x180: {  	v16 =	vmul.f32 v21, v53;
	v21 =	vadd.f32 $-9.375000000e-01, v58;
	v17 =	vmul.f32 v17, v20;
	v20 =	vld [tilespmem:s3+$0x0]  }
0x181: {  	v63 =	vmul.f32 v27, v9;
	v9 =	vmul.f32 $9.999999770e-03, v15;
	v7 =	vadd.f32 $-2.000000030e-01, v7  }
0x182: {  	v10 =	vsub.f32 $1.500000000e+00, v10;
	v21 =	vmul.f32 v21, v23;
	v62 =	vadd.f32 $1.250000000e+00, v16  }
0x183: {  	v15 =	vld.idx.msk [tilespmem:v35+s6+$0x0], $0xffff;
	v12 =	vsub.f32 $1.500000000e+00, v12;
	v13 =	vmul.f32 v13, v23;
	v7 =	vadd.f32 v7, v30  }
0x184: {  	v16 =	vmul.f32 v19, v10;
	v10 =	vld.idx.msk [tilespmem:v60+s6+$0x0], $0xffff;
	v19 =	vadd.f32 $1.250000000e+00, v21;
	v21 =	vmul.f32 v62, v11  }
0x185: {  	s10 =	simm.s32 $0x1E120;
	vm1 =	vmmov vm3;
	v11 =	vld.idx.msk [tilespmem:v31+s6+$0x0], $0xffff;
	v7 =	vmul.f32 v7, v17;
	v17 =	vmul.f32 v22, v12  }
0x186: {  	[tilespmem:s10+$0x10] =	vst v5;
	vm3 =	vle.f32 v4, $1.000000000e+01;
	v8 =	vnsel vm2, $0x0, v8;
	v14 =	vsub.f32 v14, v18;
	v12 =	vld.idx.msk [tilespmem:v61+s6+$0x0], $0xffff  }
0x187: {  	v22 =	vsub.f32 v52, v16;
	v19 =	vmul.f32 v19, v13;
	v13 =	vld.idx.msk [tilespmem:v32+s6+$0x0], $0xffff;
	v23 =	vsub.f32 v54, v17  }
0x188: {  	vm2 =	vmmov vm5;
	[tilespmem:s10+$0xFFFFFFE0] =	vst v8;
	v8 =	vmul.f32 $9.999999770e-03, v4;
	v5 =	vmul.f32 v14, v21;
	v14 =	vld.idx.msk [tilespmem:v20+s6+$0x0], $0xffff  }
0x189: {  	s9 =	simm.s32 $0x1E160;
	v7 =	vnsel vm4, $0x0, v7;
	v21 =	vmul.f32 v23, v19;
	v20 =	vmul.f32 v22, v63  }
0x18a: {  	s21 =	simm.s32 $0x40;
	s22 =	simm.s32 $0x187A0;
	vm4 =	vle.f32 v6, $1.000000000e+01;
	[tilespmem:s9+$0x10] =	vst v7;
	v19 =	vadd.f32 v5, v18;
	v18 =	vmul.f32 $9.999999770e-03, v6  }
.LBB2_6:
0x18b: {  	v10 =	vmul.f32 v12, v10;
	v6 =	vadd.f32 v20, v16;
	v12 =	vadd.f32 v21, v17  }
0x18c: {  	v7 =	vld [tilespmem:s22+$0x10];
	s21 =	sadd.s32 $0x40, s21;
	vm5 =	vmmov vm0;
	vm0 =	vmmov vm3;
	vm3 =	vmmov vm1  }
0x18d: {  	v11 =	vmul.f32 v13, v11;
	v13 =	vmul.f32 v15, v14;
	v4 =	vld [tilespmem:s22+$0xFFFFFFF0];
	p0 =	slt.u32 s21, $0x100;
	v16 =	vadd.f32 $-2.000000030e-01, v19  }
0x18e: {  	v15 =	vmul.f32 v3, v1;
	v5 =	vld [tilespmem:s22+$0x0];
	v14 =	vadd.f32 $-2.000000030e-01, v6;
	v12 =	vadd.f32 $-2.000000030e-01, v12  }
0x18f: {  	vm1 =	vmmov vm4;
	v1 =	vmovc v11;
	v6 =	vld [tilespmem:s22+$0xFFFFFFE0];
	v9 =	vadd.f32 v16, v9;
	v16 =	vmul.f32 v2, v0;
	v0 =	vmovc v13  }
0x190: {  	v11 =	vnsel vm5, $0x0, v15;
	v3 =	vadd.f32 v14, v8;
	v2 =	vadd.f32 v12, v18  }
0x191: {  	v12 =	vmul.f32 v7, v7;
	v8 =	vmul.f32 v9, v10;
	[tilespmem:s10+$0xFFFFFFF0] =	vst v11;
	v10 =	vnsel vm3, $0x0, v16  }
0x192: {  	v9 =	vmin.f32 v4, $2.000000000e+00;
	v11 =	vmul.f32 v4, v4;
	(erf) = vrcp.f32 v4;
	[tilespmem:s10+$0x0] =	vst v10;
	s10 =	smov.u32 s9  }
0x193: {  	v10 =	vmul.f32 v5, v5;
	v12 =	vadd.f32 $1.000000000e+00, v12;
	(erf) = vrcp.f32 v5  }
0x194: {  	v13 =	vmul.f32 v6, v6;
	v11 =	vadd.f32 $1.000000000e+00, v11;
	(erf) = vrcp.f32 v6  }
0x195: {  	v14 =	vshra.s32 v12, $0x1;
	v12 =	vmul.f32 $5.000000000e-01, v12;
	(erf) = vrcp.f32 v7  }
0x196: {  	v15 =	vmin.f32 v7, $2.000000000e+00;
	v13 =	vadd.f32 $1.000000000e+00, v13;
	v14 =	vsub.s32 $0x5F3759DF, v14  }
0x197: {  	s3 =	sadd.s32 $0x40, s3;
	v16 =	vmul.f32 $1.875000000e-01, v15;
	v10 =	vadd.f32 $1.000000000e+00, v10;
	v12 =	vmul.f32 v14, v12  }
0x198: {  	s8 =	sadd.s32 $0x40, s8;
	v18 =	vshra.s32 v11, $0x1;
	v17 =	vshra.s32 v13, $0x1;
	v13 =	vmul.f32 $5.000000000e-01, v13;
	v19 =	vld [tilespmem:s3+$0x10]  }
0x199: {  	v16 =	vadd.f32 $-9.375000000e-01, v16;
	v11 =	vmul.f32 $5.000000000e-01, v11;
	v20 =	vld [tilespmem:s8+$0x10];
	v12 =	vmul.f32 v14, v12  }
0x19a: {  	v22 =	vshra.s32 v10, $0x1;
	v10 =	vmul.f32 $5.000000000e-01, v10;
	v17 =	vsub.s32 $0x5F3759DF, v17;
	v21 =	vld [tilespmem:s3+$0xFFFFFFE0]  }
0x19b: {  	v30 =	vmul.f32 v15, v15;
	v16 =	vmul.f32 v16, v15;
	v23 =	vld [tilespmem:s8+$0xFFFFFFE0];
	v12 =	vsub.f32 $1.500000000e+00, v12;
	v25 =	vpop (erf)  }
0x19c: {  	v26 =	vmin.f32 v6, $2.000000000e+00;
	v18 =	vsub.s32 $0x5F3759DF, v18;
	v22 =	vsub.s32 $0x5F3759DF, v22;
	v27 =	vld [tilespmem:s3+$0xFFFFFFF0];
	v28 =	vpop (erf)  }
0x19d: {  	v15 =	vmul.f32 v30, v15;
	v16 =	vadd.f32 $1.250000000e+00, v16;
	v29 =	vld [tilespmem:s8+$0xFFFFFFF0];
	v14 =	vmul.f32 v14, v12;
	v24 =	vpop (erf)  }
0x19e: {  	v31 =	vmin.f32 v5, $2.000000000e+00;
	v11 =	vmul.f32 v18, v11;
	v12 =	vmul.f32 v17, v13;
	v30 =	vld [tilespmem:s3+$0x0];
	v13 =	vpop (erf)  }
0x19f: {  	v33 =	vmul.f32 v22, v10;
	v10 =	vmul.f32 v16, v15;
	v32 =	vld [tilespmem:s8+$0x0];
	v13 =	vsub.f32 v13, v14  }
0x1a0: {  	vm5 =	vle.f32 v6, $1.000000000e+01;
	v15 =	vmul.f32 $1.875000000e-01, v26;
	v16 =	vmul.f32 $1.875000000e-01, v9;
	v19 =	vld.idx.msk [tilespmem:v19+s6+$0x0], $0xffff  }
0x1a1: {  	vm3 =	vle.f32 v4, $1.000000000e+01;
	v34 =	vmul.f32 $1.875000000e-01, v31;
	v20 =	vld.idx.msk [tilespmem:v20+s6+$0x0], $0xffff;
	v13 =	vmul.f32 v13, v10  }
0x1a2: {  	v35 =	vmul.f32 v18, v11;
	v15 =	vadd.f32 $-9.375000000e-01, v15;
	v10 =	vld.idx.msk [tilespmem:v21+s6+$0x0], $0xffff;
	v21 =	vmul.f32 v17, v12  }
0x1a3: {  	v16 =	vadd.f32 $-9.375000000e-01, v16;
	v12 =	vld.idx.msk [tilespmem:v23+s6+$0x0], $0xffff;
	v23 =	vmul.f32 v22, v33;
	v14 =	vadd.f32 v13, v14  }
0x1a4: {  	v33 =	vmul.f32 v15, v26;
	v15 =	vadd.f32 $-9.375000000e-01, v34;
	v21 =	vsub.f32 $1.500000000e+00, v21;
	v11 =	vld.idx.msk [tilespmem:v27+s6+$0x0], $0xffff  }
0x1a5: {  	v34 =	vmul.f32 $9.999999770e-03, v7;
	v27 =	vsub.f32 $1.500000000e+00, v35;
	v13 =	vld.idx.msk [tilespmem:v29+s6+$0x0], $0xffff;
	v29 =	vadd.f32 $-2.000000030e-01, v14  }
0x1a6: {  	v16 =	vmul.f32 v16, v9;
	v23 =	vsub.f32 $1.500000000e+00, v23;
	v14 =	vld.idx.msk [tilespmem:v30+s6+$0x0], $0xffff;
	v30 =	vmul.f32 v15, v31  }
0x1a7: {  	v35 =	vmul.f32 v26, v26;
	v19 =	vmul.f32 v20, v19;
	v15 =	vld.idx.msk [tilespmem:v32+s6+$0x0], $0xffff;
	v29 =	vadd.f32 v29, v34  }
0x1a8: {  	v20 =	vadd.f32 $1.250000000e+00, v33;
	v33 =	vmul.f32 v31, v31;
	v32 =	vmul.f32 v9, v9  }
0x1a9: {  	v34 =	vmul.f32 v17, v21;
	v21 =	vadd.f32 $1.250000000e+00, v16;
	v19 =	vmul.f32 v29, v19  }
0x1aa: {  	vm4 =	vle.f32 v7, $1.000000000e+01;
	v16 =	vmul.f32 v18, v27;
	v17 =	vmul.f32 v22, v23  }
0x1ab: {  	s9 =	sadd.s32 $0x40, s9;
	v7 =	vmul.f32 v35, v26;
	v18 =	vadd.f32 $1.250000000e+00, v30;
	v19 =	vnsel vm4, $0x0, v19  }
0x1ac: {  	v23 =	vmul.f32 v33, v31;
	v22 =	vsub.f32 v24, v34;
	v9 =	vmul.f32 v32, v9;
	[tilespmem:s9+$0x10] =	vst v19  }
.Ltmp2:
0x1ad: {  	v7 =	vmul.f32 v20, v7;
	v24 =	vsub.f32 v28, v17;
	v19 =	vsub.f32 v25, v16;
	(pc) =	sbr.rel @p0 .LBB2_6-.Ltmp2, $4  }
0x1ae: {  	v18 =	vmul.f32 v18, v23;
	v20 =	vmul.f32 v21, v9;
	vm4 =	vle.f32 v5, $1.000000000e+01  }
0x1af: {  	v7 =	vmul.f32 v22, v7;
	v9 =	vmul.f32 $9.999999770e-03, v6;
	v6 =	vnsel vm2, $0x0, v8  }
0x1b0: {  	vm2 =	vmmov vm5;
	v21 =	vmul.f32 v24, v18;
	v20 =	vmul.f32 v19, v20;
	[tilespmem:s10+$0xFFFFFFE0] =	vst v6  }
0x1b1: {  	s22 =	sadd.s32 $0x40, s22;
	v8 =	vmul.f32 $9.999999770e-03, v4;
	v18 =	vmul.f32 $9.999999770e-03, v5;
	v19 =	vadd.f32 v7, v34  }
0x1b2: {  	v4 =	vmul.f32 v12, v10;
	v5 =	vadd.f32 v20, v16;
	v6 =	vadd.f32 v21, v17  }
0x1b3: {  	vm0 =	vmmov vm0;
	vm3 =	vmmov vm3;
	v7 =	vadd.f32 $-2.000000030e-01, v19  }
0x1b4: {  	vm1 =	vmmov vm1;
	v54 =	vmul.f32 v13, v11;
	v5 =	vadd.f32 $-2.000000030e-01, v5  }
0x1b5: {  	v1 =	vmul.f32 v3, v1;
	v6 =	vadd.f32 $-2.000000030e-01, v6;
	v55 =	vadd.f32 v7, v9  }
0x1b6: {  	v56 =	vmul.f32 v15, v14;
	v0 =	vmul.f32 v2, v0;
	v57 =	vadd.f32 v5, v8  }
0x1b7: {  	v1 =	vnsel vm0, $0x0, v1;
	v58 =	vadd.f32 v6, v18;
	v3 =	vmul.f32 v55, v4  }
0x1b8: {  	vm14 =	vmmov vm4;
	v0 =	vnsel vm1, $0x0, v0;
	[tilespmem:s10+$0xFFFFFFF0] =	vst v1;
	v59 =	vmul.f32 v57, v54  }
0x1b9: {  	vm15 =	vmmov vm3;
	[tilespmem:s10+$0x0] =	vst v0;
	v61 =	vmul.f32 v58, v56;
	v60 =	vnsel vm2, $0x0, v3  }
0x1ba: {  	s1 =	sadd.s32 $0x1, s1;
	vm0 =	vmmov vm14;
	[tilespmem:s9+$0xFFFFFFE0] =	vst v60;
	v62 =	vnsel vm15, $0x0, v59  }
0x1bb: {  	p0 =	sne.s32 s1, s20;
	v63 =	vnsel vm0, $0x0, v61;
	[tilespmem:s9+$0xFFFFFFF0] =	vst v62  }
.Ltmp3:
0x1bc: {  	s3 =	simm.s32 $0x1E100;
	[tilespmem:s9+$0x0] =	vst v63;
	(pc) =	sbr.rel @p0 .LBB2_1-.Ltmp3, $4  }
0x1bd: {  	[hbm4b:s19+s6] =	stream.linear.scatter [tilespmem:s3], [sflag:$0x6], $0x140, $0x38;
	[tilespmem:$0x1FF00] =	vst v63  }
0x1be: {  	_ =	swait.ge [sflag:s31], $0x140  }
0x1bf: {  	[sflag:s31] =	ssyncset.done $0x0  }
0x1c0: {  	[sflag:s31] =	ssyncadd.s32 $0xFFFFFEC0  }
0x1c1: {  	_ =	sfence.sel $0x180000  }
0x1c2: {  	[bflag:$0x0] =	sbarrier.arrive $0xFFFF  }
0x1c3: {  	_ =	strace $0x90000047  }
0x1c4: {  	s0 =	stileid.u32;
	[bflag:$0x2] =	sbarrier.arrive $0xFFFF  }
0x1c5: {  	p0 =	sne.s32 s0, $0x0;
	s0 =	rddreg [dreg:$0x5]  }
0x1c6: {  	s0 =	sadd.s32 @!p0 $0x100000, s0  }
0x1c7: {  	[sflag:s0] =	ssyncadd.tile.s32 @!p0 $0x1;
	_ =	shalt  }
.Lfunc_end2:
_tile_overlayer_lowered:
.L_overlay_start_2:
0x1c8: {  	(tag) =	ssettag $0x2  }
0x1c9: {  	s0 =	rddreg [dreg:$0x0];
	s2 =	stileid.u32  }
0x1ca: {  	s1 =	rddreg [dreg:$0x1];
	p0 =	sne.s32 s2, $0x0  }
0x1cb: {  	s3 =	rddreg [dreg:$0x2];
	[bflag:$0x3] =	sbarrier.arrive $0xFFFF;
	s2 =	simm.s32 @!p0 $0x1C06  }
0x1cc: {  	[timem:s3], [sflag:s2] =	dma.local @!p0 [hbm:s0], s1  }
0x1cd: {  	s0 =	simm.s32 @!p0 $0x6  }
0x1ce: {  	_ =	swait.ge @!p0 [sflag:s0], s1  }
0x1cf: {  	s1 =	ssub.s32 @!p0 $0x0, s1;
	[sflag:s0] =	ssyncset.done @!p0 $0x0  }
0x1d0: {  	[sflag:s0] =	ssyncadd.s32 @!p0 s1  }
0x1d1: {  	[bflag:$0x3] =	sbarrier.arrive $0xFFFF  }
0x1d2: {  	_ =	shalt  }

</sc_bundles>
